<compile_context>
chip_gen: v7x
topology: tpu7x:2x2x1
jax: 0.10.2.dev20260603
libtpu: 0.0.44.dev20260713+nightly
codegen_flags: <defaults>
</compile_context>

<pallas_src>
import functools

import jax
import jax.numpy as jnp
from jax import lax
from jax.experimental import pallas as pl
from jax.experimental.pallas import tpu as pltpu
from jax.experimental.pallas import tpu_sc as plsc

_B = 4096
_D = 512
_L = 16
_NW = 32
_ROWS = _B // _NW
_CHUNK = 64


def _sc_body(feat, lab, cent, out, idx_v, c_v, f_v, out_v, gsem):
    wid = lax.axis_index("s") * 2 + lax.axis_index("c")
    base = wid * _ROWS

    pltpu.sync_copy(lab.at[pl.ds(base, _ROWS)], idx_v)
    gather = pltpu.async_copy(cent.at[idx_v], c_v, gsem)
    pltpu.sync_copy(feat.at[pl.ds(base, _CHUNK)], f_v)
    gather.wait()

    acc = jnp.zeros((_L,), jnp.float32)
    for chunk in range(_ROWS // _CHUNK):
        if chunk:
            pltpu.sync_copy(feat.at[pl.ds(base + chunk * _CHUNK, _CHUNK)], f_v)

        def row_body(r, acc, chunk=chunk):
            for d in range(0, _D, _L):
                df = f_v[r, pl.ds(d, _L)] - c_v[chunk * _CHUNK + r, pl.ds(d, _L)]
                acc = acc + df * df
            return acc

        acc = lax.fori_loop(0, _CHUNK, row_body, acc)

    out_v[...] = acc
    pltpu.sync_copy(out_v, out.at[wid])


_sc_call = functools.partial(
    pl.kernel,
    out_type=jax.ShapeDtypeStruct((_NW, _L), jnp.float32),
    mesh=plsc.VectorSubcoreMesh(core_axis_name="c", subcore_axis_name="s"),
    scratch_types=[
        pltpu.VMEM((_ROWS,), jnp.int32),
        pltpu.VMEM((_ROWS, _D), jnp.float32),
        pltpu.VMEM((_CHUNK, _D), jnp.float32),
        pltpu.VMEM((_L,), jnp.float32),
        pltpu.SemaphoreType.DMA,
    ],
)(_sc_body)


@jax.jit
def kernel(features, labels, centers):
    partials = _sc_call(features, labels.astype(jnp.int32), centers)
    return jnp.sum(partials) / (2.0 * features.shape[0])

# --- scband reference (transcript-rebuilt; emitter-appended) ---
"""Pipeline reference for scband-center-loss-12601434046600 (READ-ONLY COPY).

The authoritative reference and input builder live on the scoring server;
editing this copy changes nothing except your own understanding.
"""

import jax, jax.numpy as jnp
import numpy as np

NUM_CLASSES = 1000
FEAT_DIM = 512
BATCH = 4096


def setup_inputs(seed: int = 0) -> dict:
    key = jax.random.key(seed)
    k1, k2, k3 = jax.random.split(key, 3)
    features = jax.random.normal(k1, (BATCH, FEAT_DIM), dtype=jnp.float32)
    labels = jax.random.randint(k2, (BATCH,), 0, NUM_CLASSES, dtype=jnp.int64)
    centers = jax.random.normal(k3, (NUM_CLASSES, FEAT_DIM), dtype=jnp.float32)
    return {"features": features, "labels": labels, "centers": centers}


def reference(features, labels, centers):
    batch_size = features.shape[0]
    centers_batch = jnp.take(centers, labels, axis=0)
    loss = jnp.sum(jnp.square(features - centers_batch)) / (2.0 * batch_size)
    return loss

if __name__ == "__main__":
    import jax
    _d = setup_inputs()
    print(jax.jit(kernel)(*tuple(_d.values())))

</pallas_src>

<mosaic_0001>
#map = affine_map<(d0, d1) -> (0, 0)>
#map1 = affine_map<(d0, d1) -> (0)>
module attributes {stable_mosaic.version = 14 : i64} {
  func.func @_sc_body(%arg0: i32, %arg1: i32, %arg2: memref<4096x512xf32, #tpu.memory_space<hbm>>, %arg3: memref<4096xi32, #tpu.memory_space<hbm>>, %arg4: memref<1000x512xf32, #tpu.memory_space<hbm>>, %arg5: memref<32x16xf32, #tpu.memory_space<hbm>>, %arg6: memref<128xi32, #tpu.memory_space<vmem>>, %arg7: memref<128x512xf32, #tpu.memory_space<vmem>>, %arg8: memref<64x512xf32, #tpu.memory_space<vmem>>, %arg9: memref<16xf32, #tpu.memory_space<vmem>>, %arg10: memref<!tpu.dma_semaphore, #tpu.memory_space<semaphore_mem>>) attributes {dimension_semantics = [#tpu.dimension_semantics<core_parallel>, #tpu.dimension_semantics<subcore_parallel>], iteration_bounds = array<i64: 2, 16>, scalar_prefetch = 0 : i64, scratch_operands = 5 : i64, tpu.core_type = #tpu.core_type<sc_vector_subcore>, window_params = [{transform_indices = #map}, {transform_indices = #map1}, {transform_indices = #map}, {transform_indices = #map}]} {
    %mul3A = arith.constant 2 : i32
    %mul3A_0 = arith.muli %arg1, %mul3A : i32
    %add3A = arith.addi %mul3A_0, %arg0 : i32
    %mul3A_1 = arith.constant 128 : i32
    %mul3A_2 = arith.muli %add3A, %mul3A_1 : i32
    "tpu.region"() ({
      %run_scoped3A = tpu.sem_alloc : memref<!tpu.dma_semaphore, #tpu.memory_space<semaphore_mem>>
      %dma_start3A_24 = tpu.memref_slice %arg3[%mul3A_2] : memref<4096xi32, #tpu.memory_space<hbm>> -> memref<128xi32, #tpu.memory_space<hbm>>
      %dma_start3A_25 = tpu.memref_slice %arg3[%mul3A_2] : memref<4096xi32, #tpu.memory_space<hbm>> -> memref<128xi32, #tpu.memory_space<hbm>>
      tpu.enqueue_dma source(%dma_start3A_25 : memref<128xi32, #tpu.memory_space<hbm>>) target(%arg6 : memref<128xi32, #tpu.memory_space<vmem>>) target_semaphore(%run_scoped3A : memref<!tpu.dma_semaphore, #tpu.memory_space<semaphore_mem>>)
      %dma_wait3A_26 = tpu.memref_slice %arg3[%mul3A_2] : memref<4096xi32, #tpu.memory_space<hbm>> -> memref<128xi32, #tpu.memory_space<hbm>>
      %dma_wait3A_27 = tpu.memref_slice %arg3[%mul3A_2] : memref<4096xi32, #tpu.memory_space<hbm>> -> memref<128xi32, #tpu.memory_space<hbm>>
      tpu.wait_dma2 semaphore(%run_scoped3A : memref<!tpu.dma_semaphore, #tpu.memory_space<semaphore_mem>>) src(%dma_wait3A_27 : memref<128xi32, #tpu.memory_space<hbm>>) dst(%arg6 : memref<128xi32, #tpu.memory_space<vmem>>)
      tpu.yield
    }) : () -> ()
    %dma_start3A = arith.constant 0 : i32
    %dma_start3A_3 = arith.constant 0 : i32
    %dma_start3A_4 = tpu.memref_slice %arg4[%dma_start3A, %dma_start3A_3] : memref<1000x512xf32, #tpu.memory_space<hbm>> -> memref<1000x512xf32, #tpu.memory_space<hbm>>
    tpu.enqueue_indirect_dma source(%dma_start3A_4 : memref<1000x512xf32, #tpu.memory_space<hbm>>) target(%arg7 : memref<128x512xf32, #tpu.memory_space<vmem>>) offsets(%arg6 : memref<128xi32, #tpu.memory_space<vmem>>) semaphore(%arg10 : memref<!tpu.dma_semaphore, #tpu.memory_space<semaphore_mem>>)
    "tpu.region"() ({
      %run_scoped3A = tpu.sem_alloc : memref<!tpu.dma_semaphore, #tpu.memory_space<semaphore_mem>>
      %dma_start3A_24 = arith.constant 0 : i32
      %dma_start3A_25 = tpu.memref_slice %arg2[%mul3A_2, %dma_start3A_24] : memref<4096x512xf32, #tpu.memory_space<hbm>> -> memref<64x512xf32, #tpu.memory_space<hbm>>
      %dma_start3A_26 = arith.constant 0 : i32
      %dma_start3A_27 = tpu.memref_slice %arg2[%mul3A_2, %dma_start3A_26] : memref<4096x512xf32, #tpu.memory_space<hbm>> -> memref<64x512xf32, #tpu.memory_space<hbm>>
      tpu.enqueue_dma source(%dma_start3A_27 : memref<64x512xf32, #tpu.memory_space<hbm>>) target(%arg8 : memref<64x512xf32, #tpu.memory_space<vmem>>) target_semaphore(%run_scoped3A : memref<!tpu.dma_semaphore, #tpu.memory_space<semaphore_mem>>)
      %dma_wait3A_28 = arith.constant 0 : i32
      %dma_wait3A_29 = tpu.memref_slice %arg2[%mul3A_2, %dma_wait3A_28] : memref<4096x512xf32, #tpu.memory_space<hbm>> -> memref<64x512xf32, #tpu.memory_space<hbm>>
      %dma_wait3A_30 = arith.constant 0 : i32
      %dma_wait3A_31 = tpu.memref_slice %arg2[%mul3A_2, %dma_wait3A_30] : memref<4096x512xf32, #tpu.memory_space<hbm>> -> memref<64x512xf32, #tpu.memory_space<hbm>>
      tpu.wait_dma2 semaphore(%run_scoped3A : memref<!tpu.dma_semaphore, #tpu.memory_space<semaphore_mem>>) src(%dma_wait3A_31 : memref<64x512xf32, #tpu.memory_space<hbm>>) dst(%arg8 : memref<64x512xf32, #tpu.memory_space<vmem>>)
      tpu.yield
    }) : () -> ()
    %dma_wait3A = arith.constant 0 : i32
    %dma_wait3A_5 = arith.constant 0 : i32
    %dma_wait3A_6 = tpu.memref_slice %arg4[%dma_wait3A, %dma_wait3A_5] : memref<1000x512xf32, #tpu.memory_space<hbm>> -> memref<1000x512xf32, #tpu.memory_space<hbm>>
    tpu.wait_indirect_dma semaphore(%arg10 : memref<!tpu.dma_semaphore, #tpu.memory_space<semaphore_mem>>) src(%dma_wait3A_6 : memref<1000x512xf32, #tpu.memory_space<hbm>>) dst(%arg7 : memref<128x512xf32, #tpu.memory_space<vmem>>)
    %broadcast_in_dim3A = arith.constant 0.000000e+00 : f32
    %broadcast_in_dim3A_7 = vector.broadcast %broadcast_in_dim3A : f32 to vector<16xf32>
    %scan3A = arith.constant 0 : i32
    %scan3A_8 = arith.constant 64 : i32
    %scan3A_9 = arith.addi %scan3A, %scan3A_8 : i32
    %scan3A_10 = arith.constant 1 : i32
    %scan3A_11 = scf.for %scan3A_24 = %scan3A to %scan3A_9 step %scan3A_10 iter_args(%scan3A_25 = %broadcast_in_dim3A_7) -> (vector<16xf32>)  : i32 {
      %get3A = arith.index_cast %scan3A_24 : i32 to index
      %get3A_26 = arith.constant 0 : index
      %get3A_27 = tpu.vector_load %arg8[%get3A, %get3A_26] {strides = array<i32>} : memref<64x512xf32, #tpu.memory_space<vmem>>, vector<1x16xf32>,
      %get3A_28 = vector.shape_cast %get3A_27 : vector<1x16xf32> to vector<16xf32>
      %add3A_29 = arith.constant 0 : i32
      %add3A_30 = arith.addi %add3A_29, %scan3A_24 : i32
      %get3A_31 = arith.index_cast %add3A_30 : i32 to index
      %get3A_32 = arith.constant 0 : index
      %get3A_33 = tpu.vector_load %arg7[%get3A_31, %get3A_32] {strides = array<i32>} : memref<128x512xf32, #tpu.memory_space<vmem>>, vector<1x16xf32>,
      %get3A_34 = vector.shape_cast %get3A_33 : vector<1x16xf32> to vector<16xf32>
      %sub3A = arith.subf %get3A_28, %get3A_34 : vector<16xf32>
      %mul3A_35 = arith.mulf %sub3A, %sub3A : vector<16xf32>
      %add3A_36 = arith.addf %scan3A_25, %mul3A_35 : vector<16xf32>
      %get3A_37 = arith.index_cast %scan3A_24 : i32 to index
      %get3A_38 = arith.constant 16 : index
      %get3A_39 = tpu.vector_load %arg8[%get3A_37, %get3A_38] {strides = array<i32>} : memref<64x512xf32, #tpu.memory_space<vmem>>, vector<1x16xf32>,
      %get3A_40 = vector.shape_cast %get3A_39 : vector<1x16xf32> to vector<16xf32>
      %add3A_41 = arith.constant 0 : i32
      %add3A_42 = arith.addi %add3A_41, %scan3A_24 : i32
      %get3A_43 = arith.index_cast %add3A_42 : i32 to index
      %get3A_44 = arith.constant 16 : index
      %get3A_45 = tpu.vector_load %arg7[%get3A_43, %get3A_44] {strides = array<i32>} : memref<128x512xf32, #tpu.memory_space<vmem>>, vector<1x16xf32>,
      %get3A_46 = vector.shape_cast %get3A_45 : vector<1x16xf32> to vector<16xf32>
      %sub3A_47 = arith.subf %get3A_40, %get3A_46 : vector<16xf32>
      %mul3A_48 = arith.mulf %sub3A_47, %sub3A_47 : vector<16xf32>
      %add3A_49 = arith.addf %add3A_36, %mul3A_48 : vector<16xf32>
      %get3A_50 = arith.index_cast %scan3A_24 : i32 to index
      %get3A_51 = arith.constant 32 : index
      %get3A_52 = tpu.vector_load %arg8[%get3A_50, %get3A_51] {strides = array<i32>} : memref<64x512xf32, #tpu.memory_space<vmem>>, vector<1x16xf32>,
      %get3A_53 = vector.shape_cast %get3A_52 : vector<1x16xf32> to vector<16xf32>
      %add3A_54 = arith.constant 0 : i32
      %add3A_55 = arith.addi %add3A_54, %scan3A_24 : i32
      %get3A_56 = arith.index_cast %add3A_55 : i32 to index
      %get3A_57 = arith.constant 32 : index
      %get3A_58 = tpu.vector_load %arg7[%get3A_56, %get3A_57] {strides = array<i32>} : memref<128x512xf32, #tpu.memory_space<vmem>>, vector<1x16xf32>,
      %get3A_59 = vector.shape_cast %get3A_58 : vector<1x16xf32> to vector<16xf32>
      %sub3A_60 = arith.subf %get3A_53, %get3A_59 : vector<16xf32>
      %mul3A_61 = arith.mulf %sub3A_60, %sub3A_60 : vector<16xf32>
      %add3A_62 = arith.addf %add3A_49, %mul3A_61 : vector<16xf32>
      %get3A_63 = arith.index_cast %scan3A_24 : i32 to index
      %get3A_64 = arith.constant 48 : index
      %get3A_65 = tpu.vector_load %arg8[%get3A_63, %get3A_64] {strides = array<i32>} : memref<64x512xf32, #tpu.memory_space<vmem>>, vector<1x16xf32>,
      %get3A_66 = vector.shape_cast %get3A_65 : vector<1x16xf32> to vector<16xf32>
      %add3A_67 = arith.constant 0 : i32
      %add3A_68 = arith.addi %add3A_67, %scan3A_24 : i32
      %get3A_69 = arith.index_cast %add3A_68 : i32 to index
      %get3A_70 = arith.constant 48 : index
      %get3A_71 = tpu.vector_load %arg7[%get3A_69, %get3A_70] {strides = array<i32>} : memref<128x512xf32, #tpu.memory_space<vmem>>, vector<1x16xf32>,
      %get3A_72 = vector.shape_cast %get3A_71 : vector<1x16xf32> to vector<16xf32>
      %sub3A_73 = arith.subf %get3A_66, %get3A_72 : vector<16xf32>
      %mul3A_74 = arith.mulf %sub3A_73, %sub3A_73 : vector<16xf32>
      %add3A_75 = arith.addf %add3A_62, %mul3A_74 : vector<16xf32>
      %get3A_76 = arith.index_cast %scan3A_24 : i32 to index
      %get3A_77 = arith.constant 64 : index
      %get3A_78 = tpu.vector_load %arg8[%get3A_76, %get3A_77] {strides = array<i32>} : memref<64x512xf32, #tpu.memory_space<vmem>>, vector<1x16xf32>,
      %get3A_79 = vector.shape_cast %get3A_78 : vector<1x16xf32> to vector<16xf32>
      %add3A_80 = arith.constant 0 : i32
      %add3A_81 = arith.addi %add3A_80, %scan3A_24 : i32
      %get3A_82 = arith.index_cast %add3A_81 : i32 to index
      %get3A_83 = arith.constant 64 : index
      %get3A_84 = tpu.vector_load %arg7[%get3A_82, %get3A_83] {strides = array<i32>} : memref<128x512xf32, #tpu.memory_space<vmem>>, vector<1x16xf32>,
      %get3A_85 = vector.shape_cast %get3A_84 : vector<1x16xf32> to vector<16xf32>
      %sub3A_86 = arith.subf %get3A_79, %get3A_85 : vector<16xf32>
      %mul3A_87 = arith.mulf %sub3A_86, %sub3A_86 : vector<16xf32>
      %add3A_88 = arith.addf %add3A_75, %mul3A_87 : vector<16xf32>
      %get3A_89 = arith.index_cast %scan3A_24 : i32 to index
      %get3A_90 = arith.constant 80 : index
      %get3A_91 = tpu.vector_load %arg8[%get3A_89, %get3A_90] {strides = array<i32>} : memref<64x512xf32, #tpu.memory_space<vmem>>, vector<1x16xf32>,
      %get3A_92 = vector.shape_cast %get3A_91 : vector<1x16xf32> to vector<16xf32>
      %add3A_93 = arith.constant 0 : i32
      %add3A_94 = arith.addi %add3A_93, %scan3A_24 : i32
      %get3A_95 = arith.index_cast %add3A_94 : i32 to index
      %get3A_96 = arith.constant 80 : index
      %get3A_97 = tpu.vector_load %arg7[%get3A_95, %get3A_96] {strides = array<i32>} : memref<128x512xf32, #tpu.memory_space<vmem>>, vector<1x16xf32>,
      %get3A_98 = vector.shape_cast %get3A_97 : vector<1x16xf32> to vector<16xf32>
      %sub3A_99 = arith.subf %get3A_92, %get3A_98 : vector<16xf32>
      %mul3A_100 = arith.mulf %sub3A_99, %sub3A_99 : vector<16xf32>
      %add3A_101 = arith.addf %add3A_88, %mul3A_100 : vector<16xf32>
      %get3A_102 = arith.index_cast %scan3A_24 : i32 to index
      %get3A_103 = arith.constant 96 : index
      %get3A_104 = tpu.vector_load %arg8[%get3A_102, %get3A_103] {strides = array<i32>} : memref<64x512xf32, #tpu.memory_space<vmem>>, vector<1x16xf32>,
      %get3A_105 = vector.shape_cast %get3A_104 : vector<1x16xf32> to vector<16xf32>
      %add3A_106 = arith.constant 0 : i32
      %add3A_107 = arith.addi %add3A_106, %scan3A_24 : i32
      %get3A_108 = arith.index_cast %add3A_107 : i32 to index
      %get3A_109 = arith.constant 96 : index
      %get3A_110 = tpu.vector_load %arg7[%get3A_108, %get3A_109] {strides = array<i32>} : memref<128x512xf32, #tpu.memory_space<vmem>>, vector<1x16xf32>,
      %get3A_111 = vector.shape_cast %get3A_110 : vector<1x16xf32> to vector<16xf32>
      %sub3A_112 = arith.subf %get3A_105, %get3A_111 : vector<16xf32>
      %mul3A_113 = arith.mulf %sub3A_112, %sub3A_112 : vector<16xf32>
      %add3A_114 = arith.addf %add3A_101, %mul3A_113 : vector<16xf32>
      %get3A_115 = arith.index_cast %scan3A_24 : i32 to index
      %get3A_116 = arith.constant 112 : index
      %get3A_117 = tpu.vector_load %arg8[%get3A_115, %get3A_116] {strides = array<i32>} : memref<64x512xf32, #tpu.memory_space<vmem>>, vector<1x16xf32>,
      %get3A_118 = vector.shape_cast %get3A_117 : vector<1x16xf32> to vector<16xf32>
      %add3A_119 = arith.constant 0 : i32
      %add3A_120 = arith.addi %add3A_119, %scan3A_24 : i32
      %get3A_121 = arith.index_cast %add3A_120 : i32 to index
      %get3A_122 = arith.constant 112 : index
      %get3A_123 = tpu.vector_load %arg7[%get3A_121, %get3A_122] {strides = array<i32>} : memref<128x512xf32, #tpu.memory_space<vmem>>, vector<1x16xf32>,
      %get3A_124 = vector.shape_cast %get3A_123 : vector<1x16xf32> to vector<16xf32>
      %sub3A_125 = arith.subf %get3A_118, %get3A_124 : vector<16xf32>
      %mul3A_126 = arith.mulf %sub3A_125, %sub3A_125 : vector<16xf32>
      %add3A_127 = arith.addf %add3A_114, %mul3A_126 : vector<16xf32>
      %get3A_128 = arith.index_cast %scan3A_24 : i32 to index
      %get3A_129 = arith.constant 128 : index
      %get3A_130 = tpu.vector_load %arg8[%get3A_128, %get3A_129] {strides = array<i32>} : memref<64x512xf32, #tpu.memory_space<vmem>>, vector<1x16xf32>,
      %get3A_131 = vector.shape_cast %get3A_130 : vector<1x16xf32> to vector<16xf32>
      %add3A_132 = arith.constant 0 : i32
      %add3A_133 = arith.addi %add3A_132, %scan3A_24 : i32
      %get3A_134 = arith.index_cast %add3A_133 : i32 to index
      %get3A_135 = arith.constant 128 : index
      %get3A_136 = tpu.vector_load %arg7[%get3A_134, %get3A_135] {strides = array<i32>} : memref<128x512xf32, #tpu.memory_space<vmem>>, vector<1x16xf32>,
      %get3A_137 = vector.shape_cast %get3A_136 : vector<1x16xf32> to vector<16xf32>
      %sub3A_138 = arith.subf %get3A_131, %get3A_137 : vector<16xf32>
      %mul3A_139 = arith.mulf %sub3A_138, %sub3A_138 : vector<16xf32>
      %add3A_140 = arith.addf %add3A_127, %mul3A_139 : vector<16xf32>
      %get3A_141 = arith.index_cast %scan3A_24 : i32 to index
      %get3A_142 = arith.constant 144 : index
      %get3A_143 = tpu.vector_load %arg8[%get3A_141, %get3A_142] {strides = array<i32>} : memref<64x512xf32, #tpu.memory_space<vmem>>, vector<1x16xf32>,
      %get3A_144 = vector.shape_cast %get3A_143 : vector<1x16xf32> to vector<16xf32>
      %add3A_145 = arith.constant 0 : i32
      %add3A_146 = arith.addi %add3A_145, %scan3A_24 : i32
      %get3A_147 = arith.index_cast %add3A_146 : i32 to index
      %get3A_148 = arith.constant 144 : index
      %get3A_149 = tpu.vector_load %arg7[%get3A_147, %get3A_148] {strides = array<i32>} : memref<128x512xf32, #tpu.memory_space<vmem>>, vector<1x16xf32>,
      %get3A_150 = vector.shape_cast %get3A_149 : vector<1x16xf32> to vector<16xf32>
      %sub3A_151 = arith.subf %get3A_144, %get3A_150 : vector<16xf32>
      %mul3A_152 = arith.mulf %sub3A_151, %sub3A_151 : vector<16xf32>
      %add3A_153 = arith.addf %add3A_140, %mul3A_152 : vector<16xf32>
      %get3A_154 = arith.index_cast %scan3A_24 : i32 to index
      %get3A_155 = arith.constant 160 : index
      %get3A_156 = tpu.vector_load %arg8[%get3A_154, %get3A_155] {strides = array<i32>} : memref<64x512xf32, #tpu.memory_space<vmem>>, vector<1x16xf32>,
      %get3A_157 = vector.shape_cast %get3A_156 : vector<1x16xf32> to vector<16xf32>
      %add3A_158 = arith.constant 0 : i32
      %add3A_159 = arith.addi %add3A_158, %scan3A_24 : i32
      %get3A_160 = arith.index_cast %add3A_159 : i32 to index
      %get3A_161 = arith.constant 160 : index
      %get3A_162 = tpu.vector_load %arg7[%get3A_160, %get3A_161] {strides = array<i32>} : memref<128x512xf32, #tpu.memory_space<vmem>>, vector<1x16xf32>,
      %get3A_163 = vector.shape_cast %get3A_162 : vector<1x16xf32> to vector<16xf32>
      %sub3A_164 = arith.subf %get3A_157, %get3A_163 : vector<16xf32>
      %mul3A_165 = arith.mulf %sub3A_164, %sub3A_164 : vector<16xf32>
      %add3A_166 = arith.addf %add3A_153, %mul3A_165 : vector<16xf32>
      %get3A_167 = arith.index_cast %scan3A_24 : i32 to index
      %get3A_168 = arith.constant 176 : index
      %get3A_169 = tpu.vector_load %arg8[%get3A_167, %get3A_168] {strides = array<i32>} : memref<64x512xf32, #tpu.memory_space<vmem>>, vector<1x16xf32>,
      %get3A_170 = vector.shape_cast %get3A_169 : vector<1x16xf32> to vector<16xf32>
      %add3A_171 = arith.constant 0 : i32
      %add3A_172 = arith.addi %add3A_171, %scan3A_24 : i32
      %get3A_173 = arith.index_cast %add3A_172 : i32 to index
      %get3A_174 = arith.constant 176 : index
      %get3A_175 = tpu.vector_load %arg7[%get3A_173, %get3A_174] {strides = array<i32>} : memref<128x512xf32, #tpu.memory_space<vmem>>, vector<1x16xf32>,
      %get3A_176 = vector.shape_cast %get3A_175 : vector<1x16xf32> to vector<16xf32>
      %sub3A_177 = arith.subf %get3A_170, %get3A_176 : vector<16xf32>
      %mul3A_178 = arith.mulf %sub3A_177, %sub3A_177 : vector<16xf32>
      %add3A_179 = arith.addf %add3A_166, %mul3A_178 : vector<16xf32>
      %get3A_180 = arith.index_cast %scan3A_24 : i32 to index
      %get3A_181 = arith.constant 192 : index
      %get3A_182 = tpu.vector_load %arg8[%get3A_180, %get3A_181] {strides = array<i32>} : memref<64x512xf32, #tpu.memory_space<vmem>>, vector<1x16xf32>,
      %get3A_183 = vector.shape_cast %get3A_182 : vector<1x16xf32> to vector<16xf32>
      %add3A_184 = arith.constant 0 : i32
      %add3A_185 = arith.addi %add3A_184, %scan3A_24 : i32
      %get3A_186 = arith.index_cast %add3A_185 : i32 to index
      %get3A_187 = arith.constant 192 : index
      %get3A_188 = tpu.vector_load %arg7[%get3A_186, %get3A_187] {strides = array<i32>} : memref<128x512xf32, #tpu.memory_space<vmem>>, vector<1x16xf32>,
      %get3A_189 = vector.shape_cast %get3A_188 : vector<1x16xf32> to vector<16xf32>
      %sub3A_190 = arith.subf %get3A_183, %get3A_189 : vector<16xf32>
      %mul3A_191 = arith.mulf %sub3A_190, %sub3A_190 : vector<16xf32>
      %add3A_192 = arith.addf %add3A_179, %mul3A_191 : vector<16xf32>
      %get3A_193 = arith.index_cast %scan3A_24 : i32 to index
      %get3A_194 = arith.constant 208 : index
      %get3A_195 = tpu.vector_load %arg8[%get3A_193, %get3A_194] {strides = array<i32>} : memref<64x512xf32, #tpu.memory_space<vmem>>, vector<1x16xf32>,
      %get3A_196 = vector.shape_cast %get3A_195 : vector<1x16xf32> to vector<16xf32>
      %add3A_197 = arith.constant 0 : i32
      %add3A_198 = arith.addi %add3A_197, %scan3A_24 : i32
      %get3A_199 = arith.index_cast %add3A_198 : i32 to index
      %get3A_200 = arith.constant 208 : index
      %get3A_201 = tpu.vector_load %arg7[%get3A_199, %get3A_200] {strides = array<i32>} : memref<128x512xf32, #tpu.memory_space<vmem>>, vector<1x16xf32>,
      %get3A_202 = vector.shape_cast %get3A_201 : vector<1x16xf32> to vector<16xf32>
      %sub3A_203 = arith.subf %get3A_196, %get3A_202 : vector<16xf32>
      %mul3A_204 = arith.mulf %sub3A_203, %sub3A_203 : vector<16xf32>
      %add3A_205 = arith.addf %add3A_192, %mul3A_204 : vector<16xf32>
      %get3A_206 = arith.index_cast %scan3A_24 : i32 to index
      %get3A_207 = arith.constant 224 : index
      %get3A_208 = tpu.vector_load %arg8[%get3A_206, %get3A_207] {strides = array<i32>} : memref<64x512xf32, #tpu.memory_space<vmem>>, vector<1x16xf32>,
      %get3A_209 = vector.shape_cast %get3A_208 : vector<1x16xf32> to vector<16xf32>
      %add3A_210 = arith.constant 0 : i32
      %add3A_211 = arith.addi %add3A_210, %scan3A_24 : i32
      %get3A_212 = arith.index_cast %add3A_211 : i32 to index
      %get3A_213 = arith.constant 224 : index
      %get3A_214 = tpu.vector_load %arg7[%get3A_212, %get3A_213] {strides = array<i32>} : memref<128x512xf32, #tpu.memory_space<vmem>>, vector<1x16xf32>,
      %get3A_215 = vector.shape_cast %get3A_214 : vector<1x16xf32> to vector<16xf32>
      %sub3A_216 = arith.subf %get3A_209, %get3A_215 : vector<16xf32>
      %mul3A_217 = arith.mulf %sub3A_216, %sub3A_216 : vector<16xf32>
      %add3A_218 = arith.addf %add3A_205, %mul3A_217 : vector<16xf32>
      %get3A_219 = arith.index_cast %scan3A_24 : i32 to index
      %get3A_220 = arith.constant 240 : index
      %get3A_221 = tpu.vector_load %arg8[%get3A_219, %get3A_220] {strides = array<i32>} : memref<64x512xf32, #tpu.memory_space<vmem>>, vector<1x16xf32>,
      %get3A_222 = vector.shape_cast %get3A_221 : vector<1x16xf32> to vector<16xf32>
      %add3A_223 = arith.constant 0 : i32
      %add3A_224 = arith.addi %add3A_223, %scan3A_24 : i32
      %get3A_225 = arith.index_cast %add3A_224 : i32 to index
      %get3A_226 = arith.constant 240 : index
      %get3A_227 = tpu.vector_load %arg7[%get3A_225, %get3A_226] {strides = array<i32>} : memref<128x512xf32, #tpu.memory_space<vmem>>, vector<1x16xf32>,
      %get3A_228 = vector.shape_cast %get3A_227 : vector<1x16xf32> to vector<16xf32>
      %sub3A_229 = arith.subf %get3A_222, %get3A_228 : vector<16xf32>
      %mul3A_230 = arith.mulf %sub3A_229, %sub3A_229 : vector<16xf32>
      %add3A_231 = arith.addf %add3A_218, %mul3A_230 : vector<16xf32>
      %get3A_232 = arith.index_cast %scan3A_24 : i32 to index
      %get3A_233 = arith.constant 256 : index
      %get3A_234 = tpu.vector_load %arg8[%get3A_232, %get3A_233] {strides = array<i32>} : memref<64x512xf32, #tpu.memory_space<vmem>>, vector<1x16xf32>,
      %get3A_235 = vector.shape_cast %get3A_234 : vector<1x16xf32> to vector<16xf32>
      %add3A_236 = arith.constant 0 : i32
      %add3A_237 = arith.addi %add3A_236, %scan3A_24 : i32
      %get3A_238 = arith.index_cast %add3A_237 : i32 to index
      %get3A_239 = arith.constant 256 : index
      %get3A_240 = tpu.vector_load %arg7[%get3A_238, %get3A_239] {strides = array<i32>} : memref<128x512xf32, #tpu.memory_space<vmem>>, vector<1x16xf32>,
      %get3A_241 = vector.shape_cast %get3A_240 : vector<1x16xf32> to vector<16xf32>
      %sub3A_242 = arith.subf %get3A_235, %get3A_241 : vector<16xf32>
      %mul3A_243 = arith.mulf %sub3A_242, %sub3A_242 : vector<16xf32>
      %add3A_244 = arith.addf %add3A_231, %mul3A_243 : vector<16xf32>
      %get3A_245 = arith.index_cast %scan3A_24 : i32 to index
      %get3A_246 = arith.constant 272 : index
      %get3A_247 = tpu.vector_load %arg8[%get3A_245, %get3A_246] {strides = array<i32>} : memref<64x512xf32, #tpu.memory_space<vmem>>, vector<1x16xf32>,
      %get3A_248 = vector.shape_cast %get3A_247 : vector<1x16xf32> to vector<16xf32>
      %add3A_249 = arith.constant 0 : i32
      %add3A_250 = arith.addi %add3A_249, %scan3A_24 : i32
      %get3A_251 = arith.index_cast %add3A_250 : i32 to index
      %get3A_252 = arith.constant 272 : index
      %get3A_253 = tpu.vector_load %arg7[%get3A_251, %get3A_252] {strides = array<i32>} : memref<128x512xf32, #tpu.memory_space<vmem>>, vector<1x16xf32>,
      %get3A_254 = vector.shape_cast %get3A_253 : vector<1x16xf32> to vector<16xf32>
      %sub3A_255 = arith.subf %get3A_248, %get3A_254 : vector<16xf32>
      %mul3A_256 = arith.mulf %sub3A_255, %sub3A_255 : vector<16xf32>
      %add3A_257 = arith.addf %add3A_244, %mul3A_256 : vector<16xf32>
      %get3A_258 = arith.index_cast %scan3A_24 : i32 to index
      %get3A_259 = arith.constant 288 : index
      %get3A_260 = tpu.vector_load %arg8[%get3A_258, %get3A_259] {strides = array<i32>} : memref<64x512xf32, #tpu.memory_space<vmem>>, vector<1x16xf32>,
      %get3A_261 = vector.shape_cast %get3A_260 : vector<1x16xf32> to vector<16xf32>
      %add3A_262 = arith.constant 0 : i32
      %add3A_263 = arith.addi %add3A_262, %scan3A_24 : i32
      %get3A_264 = arith.index_cast %add3A_263 : i32 to index
      %get3A_265 = arith.constant 288 : index
      %get3A_266 = tpu.vector_load %arg7[%get3A_264, %get3A_265] {strides = array<i32>} : memref<128x512xf32, #tpu.memory_space<vmem>>, vector<1x16xf32>,
      %get3A_267 = vector.shape_cast %get3A_266 : vector<1x16xf32> to vector<16xf32>
      %sub3A_268 = arith.subf %get3A_261, %get3A_267 : vector<16xf32>
      %mul3A_269 = arith.mulf %sub3A_268, %sub3A_268 : vector<16xf32>
      %add3A_270 = arith.addf %add3A_257, %mul3A_269 : vector<16xf32>
      %get3A_271 = arith.index_cast %scan3A_24 : i32 to index
      %get3A_272 = arith.constant 304 : index
      %get3A_273 = tpu.vector_load %arg8[%get3A_271, %get3A_272] {strides = array<i32>} : memref<64x512xf32, #tpu.memory_space<vmem>>, vector<1x16xf32>,
      %get3A_274 = vector.shape_cast %get3A_273 : vector<1x16xf32> to vector<16xf32>
      %add3A_275 = arith.constant 0 : i32
      %add3A_276 = arith.addi %add3A_275, %scan3A_24 : i32
      %get3A_277 = arith.index_cast %add3A_276 : i32 to index
      %get3A_278 = arith.constant 304 : index
      %get3A_279 = tpu.vector_load %arg7[%get3A_277, %get3A_278] {strides = array<i32>} : memref<128x512xf32, #tpu.memory_space<vmem>>, vector<1x16xf32>,
      %get3A_280 = vector.shape_cast %get3A_279 : vector<1x16xf32> to vector<16xf32>
      %sub3A_281 = arith.subf %get3A_274, %get3A_280 : vector<16xf32>
      %mul3A_282 = arith.mulf %sub3A_281, %sub3A_281 : vector<16xf32>
      %add3A_283 = arith.addf %add3A_270, %mul3A_282 : vector<16xf32>
      %get3A_284 = arith.index_cast %scan3A_24 : i32 to index
      %get3A_285 = arith.constant 320 : index
      %get3A_286 = tpu.vector_load %arg8[%get3A_284, %get3A_285] {strides = array<i32>} : memref<64x512xf32, #tpu.memory_space<vmem>>, vector<1x16xf32>,
      %get3A_287 = vector.shape_cast %get3A_286 : vector<1x16xf32> to vector<16xf32>
      %add3A_288 = arith.constant 0 : i32
      %add3A_289 = arith.addi %add3A_288, %scan3A_24 : i32
      %get3A_290 = arith.index_cast %add3A_289 : i32 to index
      %get3A_291 = arith.constant 320 : index
      %get3A_292 = tpu.vector_load %arg7[%get3A_290, %get3A_291] {strides = array<i32>} : memref<128x512xf32, #tpu.memory_space<vmem>>, vector<1x16xf32>,
      %get3A_293 = vector.shape_cast %get3A_292 : vector<1x16xf32> to vector<16xf32>
      %sub3A_294 = arith.subf %get3A_287, %get3A_293 : vector<16xf32>
      %mul3A_295 = arith.mulf %sub3A_294, %sub3A_294 : vector<16xf32>
      %add3A_296 = arith.addf %add3A_283, %mul3A_295 : vector<16xf32>
      %get3A_297 = arith.index_cast %scan3A_24 : i32 to index
      %get3A_298 = arith.constant 336 : index
      %get3A_299 = tpu.vector_load %arg8[%get3A_297, %get3A_298] {strides = array<i32>} : memref<64x512xf32, #tpu.memory_space<vmem>>, vector<1x16xf32>,
      %get3A_300 = vector.shape_cast %get3A_299 : vector<1x16xf32> to vector<16xf32>
      %add3A_301 = arith.constant 0 : i32
      %add3A_302 = arith.addi %add3A_301, %scan3A_24 : i32
      %get3A_303 = arith.index_cast %add3A_302 : i32 to index
      %get3A_304 = arith.constant 336 : index
      %get3A_305 = tpu.vector_load %arg7[%get3A_303, %get3A_304] {strides = array<i32>} : memref<128x512xf32, #tpu.memory_space<vmem>>, vector<1x16xf32>,
      %get3A_306 = vector.shape_cast %get3A_305 : vector<1x16xf32> to vector<16xf32>
      %sub3A_307 = arith.subf %get3A_300, %get3A_306 : vector<16xf32>
      %mul3A_308 = arith.mulf %sub3A_307, %sub3A_307 : vector<16xf32>
      %add3A_309 = arith.addf %add3A_296, %mul3A_308 : vector<16xf32>
      %get3A_310 = arith.index_cast %scan3A_24 : i32 to index
      %get3A_311 = arith.constant 352 : index
      %get3A_312 = tpu.vector_load %arg8[%get3A_310, %get3A_311] {strides = array<i32>} : memref<64x512xf32, #tpu.memory_space<vmem>>, vector<1x16xf32>,
      %get3A_313 = vector.shape_cast %get3A_312 : vector<1x16xf32> to vector<16xf32>
      %add3A_314 = arith.constant 0 : i32
      %add3A_315 = arith.addi %add3A_314, %scan3A_24 : i32
      %get3A_316 = arith.index_cast %add3A_315 : i32 to index
      %get3A_317 = arith.constant 352 : index
      %get3A_318 = tpu.vector_load %arg7[%get3A_316, %get3A_317] {strides = array<i32>} : memref<128x512xf32, #tpu.memory_space<vmem>>, vector<1x16xf32>,
      %get3A_319 = vector.shape_cast %get3A_318 : vector<1x16xf32> to vector<16xf32>
      %sub3A_320 = arith.subf %get3A_313, %get3A_319 : vector<16xf32>
      %mul3A_321 = arith.mulf %sub3A_320, %sub3A_320 : vector<16xf32>
      %add3A_322 = arith.addf %add3A_309, %mul3A_321 : vector<16xf32>
      %get3A_323 = arith.index_cast %scan3A_24 : i32 to index
      %get3A_324 = arith.constant 368 : index
      %get3A_325 = tpu.vector_load %arg8[%get3A_323, %get3A_324] {strides = array<i32>} : memref<64x512xf32, #tpu.memory_space<vmem>>, vector<1x16xf32>,
      %get3A_326 = vector.shape_cast %get3A_325 : vector<1x16xf32> to vector<16xf32>
      %add3A_327 = arith.constant 0 : i32
      %add3A_328 = arith.addi %add3A_327, %scan3A_24 : i32
      %get3A_329 = arith.index_cast %add3A_328 : i32 to index
      %get3A_330 = arith.constant 368 : index
      %get3A_331 = tpu.vector_load %arg7[%get3A_329, %get3A_330] {strides = array<i32>} : memref<128x512xf32, #tpu.memory_space<vmem>>, vector<1x16xf32>,
      %get3A_332 = vector.shape_cast %get3A_331 : vector<1x16xf32> to vector<16xf32>
      %sub3A_333 = arith.subf %get3A_326, %get3A_332 : vector<16xf32>
      %mul3A_334 = arith.mulf %sub3A_333, %sub3A_333 : vector<16xf32>
      %add3A_335 = arith.addf %add3A_322, %mul3A_334 : vector<16xf32>
      %get3A_336 = arith.index_cast %scan3A_24 : i32 to index
      %get3A_337 = arith.constant 384 : index
      %get3A_338 = tpu.vector_load %arg8[%get3A_336, %get3A_337] {strides = array<i32>} : memref<64x512xf32, #tpu.memory_space<vmem>>, vector<1x16xf32>,
      %get3A_339 = vector.shape_cast %get3A_338 : vector<1x16xf32> to vector<16xf32>
      %add3A_340 = arith.constant 0 : i32
      %add3A_341 = arith.addi %add3A_340, %scan3A_24 : i32
      %get3A_342 = arith.index_cast %add3A_341 : i32 to index
      %get3A_343 = arith.constant 384 : index
      %get3A_344 = tpu.vector_load %arg7[%get3A_342, %get3A_343] {strides = array<i32>} : memref<128x512xf32, #tpu.memory_space<vmem>>, vector<1x16xf32>,
      %get3A_345 = vector.shape_cast %get3A_344 : vector<1x16xf32> to vector<16xf32>
      %sub3A_346 = arith.subf %get3A_339, %get3A_345 : vector<16xf32>
      %mul3A_347 = arith.mulf %sub3A_346, %sub3A_346 : vector<16xf32>
      %add3A_348 = arith.addf %add3A_335, %mul3A_347 : vector<16xf32>
      %get3A_349 = arith.index_cast %scan3A_24 : i32 to index
      %get3A_350 = arith.constant 400 : index
      %get3A_351 = tpu.vector_load %arg8[%get3A_349, %get3A_350] {strides = array<i32>} : memref<64x512xf32, #tpu.memory_space<vmem>>, vector<1x16xf32>,
      %get3A_352 = vector.shape_cast %get3A_351 : vector<1x16xf32> to vector<16xf32>
      %add3A_353 = arith.constant 0 : i32
      %add3A_354 = arith.addi %add3A_353, %scan3A_24 : i32
      %get3A_355 = arith.index_cast %add3A_354 : i32 to index
      %get3A_356 = arith.constant 400 : index
      %get3A_357 = tpu.vector_load %arg7[%get3A_355, %get3A_356] {strides = array<i32>} : memref<128x512xf32, #tpu.memory_space<vmem>>, vector<1x16xf32>,
      %get3A_358 = vector.shape_cast %get3A_357 : vector<1x16xf32> to vector<16xf32>
      %sub3A_359 = arith.subf %get3A_352, %get3A_358 : vector<16xf32>
      %mul3A_360 = arith.mulf %sub3A_359, %sub3A_359 : vector<16xf32>
      %add3A_361 = arith.addf %add3A_348, %mul3A_360 : vector<16xf32>
      %get3A_362 = arith.index_cast %scan3A_24 : i32 to index
      %get3A_363 = arith.constant 416 : index
      %get3A_364 = tpu.vector_load %arg8[%get3A_362, %get3A_363] {strides = array<i32>} : memref<64x512xf32, #tpu.memory_space<vmem>>, vector<1x16xf32>,
      %get3A_365 = vector.shape_cast %get3A_364 : vector<1x16xf32> to vector<16xf32>
      %add3A_366 = arith.constant 0 : i32
      %add3A_367 = arith.addi %add3A_366, %scan3A_24 : i32
      %get3A_368 = arith.index_cast %add3A_367 : i32 to index
      %get3A_369 = arith.constant 416 : index
      %get3A_370 = tpu.vector_load %arg7[%get3A_368, %get3A_369] {strides = array<i32>} : memref<128x512xf32, #tpu.memory_space<vmem>>, vector<1x16xf32>,
      %get3A_371 = vector.shape_cast %get3A_370 : vector<1x16xf32> to vector<16xf32>
      %sub3A_372 = arith.subf %get3A_365, %get3A_371 : vector<16xf32>
      %mul3A_373 = arith.mulf %sub3A_372, %sub3A_372 : vector<16xf32>
      %add3A_374 = arith.addf %add3A_361, %mul3A_373 : vector<16xf32>
      %get3A_375 = arith.index_cast %scan3A_24 : i32 to index
      %get3A_376 = arith.constant 432 : index
      %get3A_377 = tpu.vector_load %arg8[%get3A_375, %get3A_376] {strides = array<i32>} : memref<64x512xf32, #tpu.memory_space<vmem>>, vector<1x16xf32>,
      %get3A_378 = vector.shape_cast %get3A_377 : vector<1x16xf32> to vector<16xf32>
      %add3A_379 = arith.constant 0 : i32
      %add3A_380 = arith.addi %add3A_379, %scan3A_24 : i32
      %get3A_381 = arith.index_cast %add3A_380 : i32 to index
      %get3A_382 = arith.constant 432 : index
      %get3A_383 = tpu.vector_load %arg7[%get3A_381, %get3A_382] {strides = array<i32>} : memref<128x512xf32, #tpu.memory_space<vmem>>, vector<1x16xf32>,
      %get3A_384 = vector.shape_cast %get3A_383 : vector<1x16xf32> to vector<16xf32>
      %sub3A_385 = arith.subf %get3A_378, %get3A_384 : vector<16xf32>
      %mul3A_386 = arith.mulf %sub3A_385, %sub3A_385 : vector<16xf32>
      %add3A_387 = arith.addf %add3A_374, %mul3A_386 : vector<16xf32>
      %get3A_388 = arith.index_cast %scan3A_24 : i32 to index
      %get3A_389 = arith.constant 448 : index
      %get3A_390 = tpu.vector_load %arg8[%get3A_388, %get3A_389] {strides = array<i32>} : memref<64x512xf32, #tpu.memory_space<vmem>>, vector<1x16xf32>,
      %get3A_391 = vector.shape_cast %get3A_390 : vector<1x16xf32> to vector<16xf32>
      %add3A_392 = arith.constant 0 : i32
      %add3A_393 = arith.addi %add3A_392, %scan3A_24 : i32
      %get3A_394 = arith.index_cast %add3A_393 : i32 to index
      %get3A_395 = arith.constant 448 : index
      %get3A_396 = tpu.vector_load %arg7[%get3A_394, %get3A_395] {strides = array<i32>} : memref<128x512xf32, #tpu.memory_space<vmem>>, vector<1x16xf32>,
      %get3A_397 = vector.shape_cast %get3A_396 : vector<1x16xf32> to vector<16xf32>
      %sub3A_398 = arith.subf %get3A_391, %get3A_397 : vector<16xf32>
      %mul3A_399 = arith.mulf %sub3A_398, %sub3A_398 : vector<16xf32>
      %add3A_400 = arith.addf %add3A_387, %mul3A_399 : vector<16xf32>
      %get3A_401 = arith.index_cast %scan3A_24 : i32 to index
      %get3A_402 = arith.constant 464 : index
      %get3A_403 = tpu.vector_load %arg8[%get3A_401, %get3A_402] {strides = array<i32>} : memref<64x512xf32, #tpu.memory_space<vmem>>, vector<1x16xf32>,
      %get3A_404 = vector.shape_cast %get3A_403 : vector<1x16xf32> to vector<16xf32>
      %add3A_405 = arith.constant 0 : i32
      %add3A_406 = arith.addi %add3A_405, %scan3A_24 : i32
      %get3A_407 = arith.index_cast %add3A_406 : i32 to index
      %get3A_408 = arith.constant 464 : index
      %get3A_409 = tpu.vector_load %arg7[%get3A_407, %get3A_408] {strides = array<i32>} : memref<128x512xf32, #tpu.memory_space<vmem>>, vector<1x16xf32>,
      %get3A_410 = vector.shape_cast %get3A_409 : vector<1x16xf32> to vector<16xf32>
      %sub3A_411 = arith.subf %get3A_404, %get3A_410 : vector<16xf32>
      %mul3A_412 = arith.mulf %sub3A_411, %sub3A_411 : vector<16xf32>
      %add3A_413 = arith.addf %add3A_400, %mul3A_412 : vector<16xf32>
      %get3A_414 = arith.index_cast %scan3A_24 : i32 to index
      %get3A_415 = arith.constant 480 : index
      %get3A_416 = tpu.vector_load %arg8[%get3A_414, %get3A_415] {strides = array<i32>} : memref<64x512xf32, #tpu.memory_space<vmem>>, vector<1x16xf32>,
      %get3A_417 = vector.shape_cast %get3A_416 : vector<1x16xf32> to vector<16xf32>
      %add3A_418 = arith.constant 0 : i32
      %add3A_419 = arith.addi %add3A_418, %scan3A_24 : i32
      %get3A_420 = arith.index_cast %add3A_419 : i32 to index
      %get3A_421 = arith.constant 480 : index
      %get3A_422 = tpu.vector_load %arg7[%get3A_420, %get3A_421] {strides = array<i32>} : memref<128x512xf32, #tpu.memory_space<vmem>>, vector<1x16xf32>,
      %get3A_423 = vector.shape_cast %get3A_422 : vector<1x16xf32> to vector<16xf32>
      %sub3A_424 = arith.subf %get3A_417, %get3A_423 : vector<16xf32>
      %mul3A_425 = arith.mulf %sub3A_424, %sub3A_424 : vector<16xf32>
      %add3A_426 = arith.addf %add3A_413, %mul3A_425 : vector<16xf32>
      %get3A_427 = arith.index_cast %scan3A_24 : i32 to index
      %get3A_428 = arith.constant 496 : index
      %get3A_429 = tpu.vector_load %arg8[%get3A_427, %get3A_428] {strides = array<i32>} : memref<64x512xf32, #tpu.memory_space<vmem>>, vector<1x16xf32>,
      %get3A_430 = vector.shape_cast %get3A_429 : vector<1x16xf32> to vector<16xf32>
      %add3A_431 = arith.constant 0 : i32
      %add3A_432 = arith.addi %add3A_431, %scan3A_24 : i32
      %get3A_433 = arith.index_cast %add3A_432 : i32 to index
      %get3A_434 = arith.constant 496 : index
      %get3A_435 = tpu.vector_load %arg7[%get3A_433, %get3A_434] {strides = array<i32>} : memref<128x512xf32, #tpu.memory_space<vmem>>, vector<1x16xf32>,
      %get3A_436 = vector.shape_cast %get3A_435 : vector<1x16xf32> to vector<16xf32>
      %sub3A_437 = arith.subf %get3A_430, %get3A_436 : vector<16xf32>
      %mul3A_438 = arith.mulf %sub3A_437, %sub3A_437 : vector<16xf32>
      %add3A_439 = arith.addf %add3A_426, %mul3A_438 : vector<16xf32>
      scf.yield %add3A_439 : vector<16xf32>
    }
    %scan3A_12 = arith.constant 64 : i32
    %add3A_13 = arith.constant 64 : i32
    %add3A_14 = arith.addi %mul3A_2, %add3A_13 : i32
    "tpu.region"() ({
      %run_scoped3A = tpu.sem_alloc : memref<!tpu.dma_semaphore, #tpu.memory_space<semaphore_mem>>
      %dma_start3A_24 = arith.constant 0 : i32
      %dma_start3A_25 = tpu.memref_slice %arg2[%add3A_14, %dma_start3A_24] : memref<4096x512xf32, #tpu.memory_space<hbm>> -> memref<64x512xf32, #tpu.memory_space<hbm>>
      %dma_start3A_26 = arith.constant 0 : i32
      %dma_start3A_27 = tpu.memref_slice %arg2[%add3A_14, %dma_start3A_26] : memref<4096x512xf32, #tpu.memory_space<hbm>> -> memref<64x512xf32, #tpu.memory_space<hbm>>
      tpu.enqueue_dma source(%dma_start3A_27 : memref<64x512xf32, #tpu.memory_space<hbm>>) target(%arg8 : memref<64x512xf32, #tpu.memory_space<vmem>>) target_semaphore(%run_scoped3A : memref<!tpu.dma_semaphore, #tpu.memory_space<semaphore_mem>>)
      %dma_wait3A_28 = arith.constant 0 : i32
      %dma_wait3A_29 = tpu.memref_slice %arg2[%add3A_14, %dma_wait3A_28] : memref<4096x512xf32, #tpu.memory_space<hbm>> -> memref<64x512xf32, #tpu.memory_space<hbm>>
      %dma_wait3A_30 = arith.constant 0 : i32
      %dma_wait3A_31 = tpu.memref_slice %arg2[%add3A_14, %dma_wait3A_30] : memref<4096x512xf32, #tpu.memory_space<hbm>> -> memref<64x512xf32, #tpu.memory_space<hbm>>
      tpu.wait_dma2 semaphore(%run_scoped3A : memref<!tpu.dma_semaphore, #tpu.memory_space<semaphore_mem>>) src(%dma_wait3A_31 : memref<64x512xf32, #tpu.memory_space<hbm>>) dst(%arg8 : memref<64x512xf32, #tpu.memory_space<vmem>>)
      tpu.yield
    }) : () -> ()
    %scan3A_15 = arith.constant 0 : i32
    %scan3A_16 = arith.constant 64 : i32
    %scan3A_17 = arith.addi %scan3A_15, %scan3A_16 : i32
    %scan3A_18 = arith.constant 1 : i32
    %scan3A_19 = scf.for %scan3A_24 = %scan3A_15 to %scan3A_17 step %scan3A_18 iter_args(%scan3A_25 = %scan3A_11) -> (vector<16xf32>)  : i32 {
      %get3A = arith.index_cast %scan3A_24 : i32 to index
      %get3A_26 = arith.constant 0 : index
      %get3A_27 = tpu.vector_load %arg8[%get3A, %get3A_26] {strides = array<i32>} : memref<64x512xf32, #tpu.memory_space<vmem>>, vector<1x16xf32>,
      %get3A_28 = vector.shape_cast %get3A_27 : vector<1x16xf32> to vector<16xf32>
      %add3A_29 = arith.constant 64 : i32
      %add3A_30 = arith.addi %add3A_29, %scan3A_24 : i32
      %get3A_31 = arith.index_cast %add3A_30 : i32 to index
      %get3A_32 = arith.constant 0 : index
      %get3A_33 = tpu.vector_load %arg7[%get3A_31, %get3A_32] {strides = array<i32>} : memref<128x512xf32, #tpu.memory_space<vmem>>, vector<1x16xf32>,
      %get3A_34 = vector.shape_cast %get3A_33 : vector<1x16xf32> to vector<16xf32>
      %sub3A = arith.subf %get3A_28, %get3A_34 : vector<16xf32>
      %mul3A_35 = arith.mulf %sub3A, %sub3A : vector<16xf32>
      %add3A_36 = arith.addf %scan3A_25, %mul3A_35 : vector<16xf32>
      %get3A_37 = arith.index_cast %scan3A_24 : i32 to index
      %get3A_38 = arith.constant 16 : index
      %get3A_39 = tpu.vector_load %arg8[%get3A_37, %get3A_38] {strides = array<i32>} : memref<64x512xf32, #tpu.memory_space<vmem>>, vector<1x16xf32>,
      %get3A_40 = vector.shape_cast %get3A_39 : vector<1x16xf32> to vector<16xf32>
      %add3A_41 = arith.constant 64 : i32
      %add3A_42 = arith.addi %add3A_41, %scan3A_24 : i32
      %get3A_43 = arith.index_cast %add3A_42 : i32 to index
      %get3A_44 = arith.constant 16 : index
      %get3A_45 = tpu.vector_load %arg7[%get3A_43, %get3A_44] {strides = array<i32>} : memref<128x512xf32, #tpu.memory_space<vmem>>, vector<1x16xf32>,
      %get3A_46 = vector.shape_cast %get3A_45 : vector<1x16xf32> to vector<16xf32>
      %sub3A_47 = arith.subf %get3A_40, %get3A_46 : vector<16xf32>
      %mul3A_48 = arith.mulf %sub3A_47, %sub3A_47 : vector<16xf32>
      %add3A_49 = arith.addf %add3A_36, %mul3A_48 : vector<16xf32>
      %get3A_50 = arith.index_cast %scan3A_24 : i32 to index
      %get3A_51 = arith.constant 32 : index
      %get3A_52 = tpu.vector_load %arg8[%get3A_50, %get3A_51] {strides = array<i32>} : memref<64x512xf32, #tpu.memory_space<vmem>>, vector<1x16xf32>,
      %get3A_53 = vector.shape_cast %get3A_52 : vector<1x16xf32> to vector<16xf32>
      %add3A_54 = arith.constant 64 : i32
      %add3A_55 = arith.addi %add3A_54, %scan3A_24 : i32
      %get3A_56 = arith.index_cast %add3A_55 : i32 to index
      %get3A_57 = arith.constant 32 : index
      %get3A_58 = tpu.vector_load %arg7[%get3A_56, %get3A_57] {strides = array<i32>} : memref<128x512xf32, #tpu.memory_space<vmem>>, vector<1x16xf32>,
      %get3A_59 = vector.shape_cast %get3A_58 : vector<1x16xf32> to vector<16xf32>
      %sub3A_60 = arith.subf %get3A_53, %get3A_59 : vector<16xf32>
      %mul3A_61 = arith.mulf %sub3A_60, %sub3A_60 : vector<16xf32>
      %add3A_62 = arith.addf %add3A_49, %mul3A_61 : vector<16xf32>
      %get3A_63 = arith.index_cast %scan3A_24 : i32 to index
      %get3A_64 = arith.constant 48 : index
      %get3A_65 = tpu.vector_load %arg8[%get3A_63, %get3A_64] {strides = array<i32>} : memref<64x512xf32, #tpu.memory_space<vmem>>, vector<1x16xf32>,
      %get3A_66 = vector.shape_cast %get3A_65 : vector<1x16xf32> to vector<16xf32>
      %add3A_67 = arith.constant 64 : i32
      %add3A_68 = arith.addi %add3A_67, %scan3A_24 : i32
      %get3A_69 = arith.index_cast %add3A_68 : i32 to index
      %get3A_70 = arith.constant 48 : index
      %get3A_71 = tpu.vector_load %arg7[%get3A_69, %get3A_70] {strides = array<i32>} : memref<128x512xf32, #tpu.memory_space<vmem>>, vector<1x16xf32>,
      %get3A_72 = vector.shape_cast %get3A_71 : vector<1x16xf32> to vector<16xf32>
      %sub3A_73 = arith.subf %get3A_66, %get3A_72 : vector<16xf32>
      %mul3A_74 = arith.mulf %sub3A_73, %sub3A_73 : vector<16xf32>
      %add3A_75 = arith.addf %add3A_62, %mul3A_74 : vector<16xf32>
      %get3A_76 = arith.index_cast %scan3A_24 : i32 to index
      %get3A_77 = arith.constant 64 : index
      %get3A_78 = tpu.vector_load %arg8[%get3A_76, %get3A_77] {strides = array<i32>} : memref<64x512xf32, #tpu.memory_space<vmem>>, vector<1x16xf32>,
      %get3A_79 = vector.shape_cast %get3A_78 : vector<1x16xf32> to vector<16xf32>
      %add3A_80 = arith.constant 64 : i32
      %add3A_81 = arith.addi %add3A_80, %scan3A_24 : i32
      %get3A_82 = arith.index_cast %add3A_81 : i32 to index
      %get3A_83 = arith.constant 64 : index
      %get3A_84 = tpu.vector_load %arg7[%get3A_82, %get3A_83] {strides = array<i32>} : memref<128x512xf32, #tpu.memory_space<vmem>>, vector<1x16xf32>,
      %get3A_85 = vector.shape_cast %get3A_84 : vector<1x16xf32> to vector<16xf32>
      %sub3A_86 = arith.subf %get3A_79, %get3A_85 : vector<16xf32>
      %mul3A_87 = arith.mulf %sub3A_86, %sub3A_86 : vector<16xf32>
      %add3A_88 = arith.addf %add3A_75, %mul3A_87 : vector<16xf32>
      %get3A_89 = arith.index_cast %scan3A_24 : i32 to index
      %get3A_90 = arith.constant 80 : index
      %get3A_91 = tpu.vector_load %arg8[%get3A_89, %get3A_90] {strides = array<i32>} : memref<64x512xf32, #tpu.memory_space<vmem>>, vector<1x16xf32>,
      %get3A_92 = vector.shape_cast %get3A_91 : vector<1x16xf32> to vector<16xf32>
      %add3A_93 = arith.constant 64 : i32
      %add3A_94 = arith.addi %add3A_93, %scan3A_24 : i32
      %get3A_95 = arith.index_cast %add3A_94 : i32 to index
      %get3A_96 = arith.constant 80 : index
      %get3A_97 = tpu.vector_load %arg7[%get3A_95, %get3A_96] {strides = array<i32>} : memref<128x512xf32, #tpu.memory_space<vmem>>, vector<1x16xf32>,
      %get3A_98 = vector.shape_cast %get3A_97 : vector<1x16xf32> to vector<16xf32>
      %sub3A_99 = arith.subf %get3A_92, %get3A_98 : vector<16xf32>
      %mul3A_100 = arith.mulf %sub3A_99, %sub3A_99 : vector<16xf32>
      %add3A_101 = arith.addf %add3A_88, %mul3A_100 : vector<16xf32>
      %get3A_102 = arith.index_cast %scan3A_24 : i32 to index
      %get3A_103 = arith.constant 96 : index
      %get3A_104 = tpu.vector_load %arg8[%get3A_102, %get3A_103] {strides = array<i32>} : memref<64x512xf32, #tpu.memory_space<vmem>>, vector<1x16xf32>,
      %get3A_105 = vector.shape_cast %get3A_104 : vector<1x16xf32> to vector<16xf32>
      %add3A_106 = arith.constant 64 : i32
      %add3A_107 = arith.addi %add3A_106, %scan3A_24 : i32
      %get3A_108 = arith.index_cast %add3A_107 : i32 to index
      %get3A_109 = arith.constant 96 : index
      %get3A_110 = tpu.vector_load %arg7[%get3A_108, %get3A_109] {strides = array<i32>} : memref<128x512xf32, #tpu.memory_space<vmem>>, vector<1x16xf32>,
      %get3A_111 = vector.shape_cast %get3A_110 : vector<1x16xf32> to vector<16xf32>
      %sub3A_112 = arith.subf %get3A_105, %get3A_111 : vector<16xf32>
      %mul3A_113 = arith.mulf %sub3A_112, %sub3A_112 : vector<16xf32>
      %add3A_114 = arith.addf %add3A_101, %mul3A_113 : vector<16xf32>
      %get3A_115 = arith.index_cast %scan3A_24 : i32 to index
      %get3A_116 = arith.constant 112 : index
      %get3A_117 = tpu.vector_load %arg8[%get3A_115, %get3A_116] {strides = array<i32>} : memref<64x512xf32, #tpu.memory_space<vmem>>, vector<1x16xf32>,
      %get3A_118 = vector.shape_cast %get3A_117 : vector<1x16xf32> to vector<16xf32>
      %add3A_119 = arith.constant 64 : i32
      %add3A_120 = arith.addi %add3A_119, %scan3A_24 : i32
      %get3A_121 = arith.index_cast %add3A_120 : i32 to index
      %get3A_122 = arith.constant 112 : index
      %get3A_123 = tpu.vector_load %arg7[%get3A_121, %get3A_122] {strides = array<i32>} : memref<128x512xf32, #tpu.memory_space<vmem>>, vector<1x16xf32>,
      %get3A_124 = vector.shape_cast %get3A_123 : vector<1x16xf32> to vector<16xf32>
      %sub3A_125 = arith.subf %get3A_118, %get3A_124 : vector<16xf32>
      %mul3A_126 = arith.mulf %sub3A_125, %sub3A_125 : vector<16xf32>
      %add3A_127 = arith.addf %add3A_114, %mul3A_126 : vector<16xf32>
      %get3A_128 = arith.index_cast %scan3A_24 : i32 to index
      %get3A_129 = arith.constant 128 : index
      %get3A_130 = tpu.vector_load %arg8[%get3A_128, %get3A_129] {strides = array<i32>} : memref<64x512xf32, #tpu.memory_space<vmem>>, vector<1x16xf32>,
      %get3A_131 = vector.shape_cast %get3A_130 : vector<1x16xf32> to vector<16xf32>
      %add3A_132 = arith.constant 64 : i32
      %add3A_133 = arith.addi %add3A_132, %scan3A_24 : i32
      %get3A_134 = arith.index_cast %add3A_133 : i32 to index
      %get3A_135 = arith.constant 128 : index
      %get3A_136 = tpu.vector_load %arg7[%get3A_134, %get3A_135] {strides = array<i32>} : memref<128x512xf32, #tpu.memory_space<vmem>>, vector<1x16xf32>,
      %get3A_137 = vector.shape_cast %get3A_136 : vector<1x16xf32> to vector<16xf32>
      %sub3A_138 = arith.subf %get3A_131, %get3A_137 : vector<16xf32>
      %mul3A_139 = arith.mulf %sub3A_138, %sub3A_138 : vector<16xf32>
      %add3A_140 = arith.addf %add3A_127, %mul3A_139 : vector<16xf32>
      %get3A_141 = arith.index_cast %scan3A_24 : i32 to index
      %get3A_142 = arith.constant 144 : index
      %get3A_143 = tpu.vector_load %arg8[%get3A_141, %get3A_142] {strides = array<i32>} : memref<64x512xf32, #tpu.memory_space<vmem>>, vector<1x16xf32>,
      %get3A_144 = vector.shape_cast %get3A_143 : vector<1x16xf32> to vector<16xf32>
      %add3A_145 = arith.constant 64 : i32
      %add3A_146 = arith.addi %add3A_145, %scan3A_24 : i32
      %get3A_147 = arith.index_cast %add3A_146 : i32 to index
      %get3A_148 = arith.constant 144 : index
      %get3A_149 = tpu.vector_load %arg7[%get3A_147, %get3A_148] {strides = array<i32>} : memref<128x512xf32, #tpu.memory_space<vmem>>, vector<1x16xf32>,
      %get3A_150 = vector.shape_cast %get3A_149 : vector<1x16xf32> to vector<16xf32>
      %sub3A_151 = arith.subf %get3A_144, %get3A_150 : vector<16xf32>
      %mul3A_152 = arith.mulf %sub3A_151, %sub3A_151 : vector<16xf32>
      %add3A_153 = arith.addf %add3A_140, %mul3A_152 : vector<16xf32>
      %get3A_154 = arith.index_cast %scan3A_24 : i32 to index
      %get3A_155 = arith.constant 160 : index
      %get3A_156 = tpu.vector_load %arg8[%get3A_154, %get3A_155] {strides = array<i32>} : memref<64x512xf32, #tpu.memory_space<vmem>>, vector<1x16xf32>,
      %get3A_157 = vector.shape_cast %get3A_156 : vector<1x16xf32> to vector<16xf32>
      %add3A_158 = arith.constant 64 : i32
      %add3A_159 = arith.addi %add3A_158, %scan3A_24 : i32
      %get3A_160 = arith.index_cast %add3A_159 : i32 to index
      %get3A_161 = arith.constant 160 : index
      %get3A_162 = tpu.vector_load %arg7[%get3A_160, %get3A_161] {strides = array<i32>} : memref<128x512xf32, #tpu.memory_space<vmem>>, vector<1x16xf32>,
      %get3A_163 = vector.shape_cast %get3A_162 : vector<1x16xf32> to vector<16xf32>
      %sub3A_164 = arith.subf %get3A_157, %get3A_163 : vector<16xf32>
      %mul3A_165 = arith.mulf %sub3A_164, %sub3A_164 : vector<16xf32>
      %add3A_166 = arith.addf %add3A_153, %mul3A_165 : vector<16xf32>
      %get3A_167 = arith.index_cast %scan3A_24 : i32 to index
      %get3A_168 = arith.constant 176 : index
      %get3A_169 = tpu.vector_load %arg8[%get3A_167, %get3A_168] {strides = array<i32>} : memref<64x512xf32, #tpu.memory_space<vmem>>, vector<1x16xf32>,
      %get3A_170 = vector.shape_cast %get3A_169 : vector<1x16xf32> to vector<16xf32>
      %add3A_171 = arith.constant 64 : i32
      %add3A_172 = arith.addi %add3A_171, %scan3A_24 : i32
      %get3A_173 = arith.index_cast %add3A_172 : i32 to index
      %get3A_174 = arith.constant 176 : index
      %get3A_175 = tpu.vector_load %arg7[%get3A_173, %get3A_174] {strides = array<i32>} : memref<128x512xf32, #tpu.memory_space<vmem>>, vector<1x16xf32>,
      %get3A_176 = vector.shape_cast %get3A_175 : vector<1x16xf32> to vector<16xf32>
      %sub3A_177 = arith.subf %get3A_170, %get3A_176 : vector<16xf32>
      %mul3A_178 = arith.mulf %sub3A_177, %sub3A_177 : vector<16xf32>
      %add3A_179 = arith.addf %add3A_166, %mul3A_178 : vector<16xf32>
      %get3A_180 = arith.index_cast %scan3A_24 : i32 to index
      %get3A_181 = arith.constant 192 : index
      %get3A_182 = tpu.vector_load %arg8[%get3A_180, %get3A_181] {strides = array<i32>} : memref<64x512xf32, #tpu.memory_space<vmem>>, vector<1x16xf32>,
      %get3A_183 = vector.shape_cast %get3A_182 : vector<1x16xf32> to vector<16xf32>
      %add3A_184 = arith.constant 64 : i32
      %add3A_185 = arith.addi %add3A_184, %scan3A_24 : i32
      %get3A_186 = arith.index_cast %add3A_185 : i32 to index
      %get3A_187 = arith.constant 192 : index
      %get3A_188 = tpu.vector_load %arg7[%get3A_186, %get3A_187] {strides = array<i32>} : memref<128x512xf32, #tpu.memory_space<vmem>>, vector<1x16xf32>,
      %get3A_189 = vector.shape_cast %get3A_188 : vector<1x16xf32> to vector<16xf32>
      %sub3A_190 = arith.subf %get3A_183, %get3A_189 : vector<16xf32>
      %mul3A_191 = arith.mulf %sub3A_190, %sub3A_190 : vector<16xf32>
      %add3A_192 = arith.addf %add3A_179, %mul3A_191 : vector<16xf32>
      %get3A_193 = arith.index_cast %scan3A_24 : i32 to index
      %get3A_194 = arith.constant 208 : index
      %get3A_195 = tpu.vector_load %arg8[%get3A_193, %get3A_194] {strides = array<i32>} : memref<64x512xf32, #tpu.memory_space<vmem>>, vector<1x16xf32>,
      %get3A_196 = vector.shape_cast %get3A_195 : vector<1x16xf32> to vector<16xf32>
      %add3A_197 = arith.constant 64 : i32
      %add3A_198 = arith.addi %add3A_197, %scan3A_24 : i32
      %get3A_199 = arith.index_cast %add3A_198 : i32 to index
      %get3A_200 = arith.constant 208 : index
      %get3A_201 = tpu.vector_load %arg7[%get3A_199, %get3A_200] {strides = array<i32>} : memref<128x512xf32, #tpu.memory_space<vmem>>, vector<1x16xf32>,
      %get3A_202 = vector.shape_cast %get3A_201 : vector<1x16xf32> to vector<16xf32>
      %sub3A_203 = arith.subf %get3A_196, %get3A_202 : vector<16xf32>
      %mul3A_204 = arith.mulf %sub3A_203, %sub3A_203 : vector<16xf32>
      %add3A_205 = arith.addf %add3A_192, %mul3A_204 : vector<16xf32>
      %get3A_206 = arith.index_cast %scan3A_24 : i32 to index
      %get3A_207 = arith.constant 224 : index
      %get3A_208 = tpu.vector_load %arg8[%get3A_206, %get3A_207] {strides = array<i32>} : memref<64x512xf32, #tpu.memory_space<vmem>>, vector<1x16xf32>,
      %get3A_209 = vector.shape_cast %get3A_208 : vector<1x16xf32> to vector<16xf32>
      %add3A_210 = arith.constant 64 : i32
      %add3A_211 = arith.addi %add3A_210, %scan3A_24 : i32
      %get3A_212 = arith.index_cast %add3A_211 : i32 to index
      %get3A_213 = arith.constant 224 : index
      %get3A_214 = tpu.vector_load %arg7[%get3A_212, %get3A_213] {strides = array<i32>} : memref<128x512xf32, #tpu.memory_space<vmem>>, vector<1x16xf32>,
      %get3A_215 = vector.shape_cast %get3A_214 : vector<1x16xf32> to vector<16xf32>
      %sub3A_216 = arith.subf %get3A_209, %get3A_215 : vector<16xf32>
      %mul3A_217 = arith.mulf %sub3A_216, %sub3A_216 : vector<16xf32>
      %add3A_218 = arith.addf %add3A_205, %mul3A_217 : vector<16xf32>
      %get3A_219 = arith.index_cast %scan3A_24 : i32 to index
      %get3A_220 = arith.constant 240 : index
      %get3A_221 = tpu.vector_load %arg8[%get3A_219, %get3A_220] {strides = array<i32>} : memref<64x512xf32, #tpu.memory_space<vmem>>, vector<1x16xf32>,
      %get3A_222 = vector.shape_cast %get3A_221 : vector<1x16xf32> to vector<16xf32>
      %add3A_223 = arith.constant 64 : i32
      %add3A_224 = arith.addi %add3A_223, %scan3A_24 : i32
      %get3A_225 = arith.index_cast %add3A_224 : i32 to index
      %get3A_226 = arith.constant 240 : index
      %get3A_227 = tpu.vector_load %arg7[%get3A_225, %get3A_226] {strides = array<i32>} : memref<128x512xf32, #tpu.memory_space<vmem>>, vector<1x16xf32>,
      %get3A_228 = vector.shape_cast %get3A_227 : vector<1x16xf32> to vector<16xf32>
      %sub3A_229 = arith.subf %get3A_222, %get3A_228 : vector<16xf32>
      %mul3A_230 = arith.mulf %sub3A_229, %sub3A_229 : vector<16xf32>
      %add3A_231 = arith.addf %add3A_218, %mul3A_230 : vector<16xf32>
      %get3A_232 = arith.index_cast %scan3A_24 : i32 to index
      %get3A_233 = arith.constant 256 : index
      %get3A_234 = tpu.vector_load %arg8[%get3A_232, %get3A_233] {strides = array<i32>} : memref<64x512xf32, #tpu.memory_space<vmem>>, vector<1x16xf32>,
      %get3A_235 = vector.shape_cast %get3A_234 : vector<1x16xf32> to vector<16xf32>
      %add3A_236 = arith.constant 64 : i32
      %add3A_237 = arith.addi %add3A_236, %scan3A_24 : i32
      %get3A_238 = arith.index_cast %add3A_237 : i32 to index
      %get3A_239 = arith.constant 256 : index
      %get3A_240 = tpu.vector_load %arg7[%get3A_238, %get3A_239] {strides = array<i32>} : memref<128x512xf32, #tpu.memory_space<vmem>>, vector<1x16xf32>,
      %get3A_241 = vector.shape_cast %get3A_240 : vector<1x16xf32> to vector<16xf32>
      %sub3A_242 = arith.subf %get3A_235, %get3A_241 : vector<16xf32>
      %mul3A_243 = arith.mulf %sub3A_242, %sub3A_242 : vector<16xf32>
      %add3A_244 = arith.addf %add3A_231, %mul3A_243 : vector<16xf32>
      %get3A_245 = arith.index_cast %scan3A_24 : i32 to index
      %get3A_246 = arith.constant 272 : index
      %get3A_247 = tpu.vector_load %arg8[%get3A_245, %get3A_246] {strides = array<i32>} : memref<64x512xf32, #tpu.memory_space<vmem>>, vector<1x16xf32>,
      %get3A_248 = vector.shape_cast %get3A_247 : vector<1x16xf32> to vector<16xf32>
      %add3A_249 = arith.constant 64 : i32
      %add3A_250 = arith.addi %add3A_249, %scan3A_24 : i32
      %get3A_251 = arith.index_cast %add3A_250 : i32 to index
      %get3A_252 = arith.constant 272 : index
      %get3A_253 = tpu.vector_load %arg7[%get3A_251, %get3A_252] {strides = array<i32>} : memref<128x512xf32, #tpu.memory_space<vmem>>, vector<1x16xf32>,
      %get3A_254 = vector.shape_cast %get3A_253 : vector<1x16xf32> to vector<16xf32>
      %sub3A_255 = arith.subf %get3A_248, %get3A_254 : vector<16xf32>
      %mul3A_256 = arith.mulf %sub3A_255, %sub3A_255 : vector<16xf32>
      %add3A_257 = arith.addf %add3A_244, %mul3A_256 : vector<16xf32>
      %get3A_258 = arith.index_cast %scan3A_24 : i32 to index
      %get3A_259 = arith.constant 288 : index
      %get3A_260 = tpu.vector_load %arg8[%get3A_258, %get3A_259] {strides = array<i32>} : memref<64x512xf32, #tpu.memory_space<vmem>>, vector<1x16xf32>,
      %get3A_261 = vector.shape_cast %get3A_260 : vector<1x16xf32> to vector<16xf32>
      %add3A_262 = arith.constant 64 : i32
      %add3A_263 = arith.addi %add3A_262, %scan3A_24 : i32
      %get3A_264 = arith.index_cast %add3A_263 : i32 to index
      %get3A_265 = arith.constant 288 : index
      %get3A_266 = tpu.vector_load %arg7[%get3A_264, %get3A_265] {strides = array<i32>} : memref<128x512xf32, #tpu.memory_space<vmem>>, vector<1x16xf32>,
      %get3A_267 = vector.shape_cast %get3A_266 : vector<1x16xf32> to vector<16xf32>
      %sub3A_268 = arith.subf %get3A_261, %get3A_267 : vector<16xf32>
      %mul3A_269 = arith.mulf %sub3A_268, %sub3A_268 : vector<16xf32>
      %add3A_270 = arith.addf %add3A_257, %mul3A_269 : vector<16xf32>
      %get3A_271 = arith.index_cast %scan3A_24 : i32 to index
      %get3A_272 = arith.constant 304 : index
      %get3A_273 = tpu.vector_load %arg8[%get3A_271, %get3A_272] {strides = array<i32>} : memref<64x512xf32, #tpu.memory_space<vmem>>, vector<1x16xf32>,
      %get3A_274 = vector.shape_cast %get3A_273 : vector<1x16xf32> to vector<16xf32>
      %add3A_275 = arith.constant 64 : i32
      %add3A_276 = arith.addi %add3A_275, %scan3A_24 : i32
      %get3A_277 = arith.index_cast %add3A_276 : i32 to index
      %get3A_278 = arith.constant 304 : index
      %get3A_279 = tpu.vector_load %arg7[%get3A_277, %get3A_278] {strides = array<i32>} : memref<128x512xf32, #tpu.memory_space<vmem>>, vector<1x16xf32>,
      %get3A_280 = vector.shape_cast %get3A_279 : vector<1x16xf32> to vector<16xf32>
      %sub3A_281 = arith.subf %get3A_274, %get3A_280 : vector<16xf32>
      %mul3A_282 = arith.mulf %sub3A_281, %sub3A_281 : vector<16xf32>
      %add3A_283 = arith.addf %add3A_270, %mul3A_282 : vector<16xf32>
      %get3A_284 = arith.index_cast %scan3A_24 : i32 to index
      %get3A_285 = arith.constant 320 : index
      %get3A_286 = tpu.vector_load %arg8[%get3A_284, %get3A_285] {strides = array<i32>} : memref<64x512xf32, #tpu.memory_space<vmem>>, vector<1x16xf32>,
      %get3A_287 = vector.shape_cast %get3A_286 : vector<1x16xf32> to vector<16xf32>
      %add3A_288 = arith.constant 64 : i32
      %add3A_289 = arith.addi %add3A_288, %scan3A_24 : i32
      %get3A_290 = arith.index_cast %add3A_289 : i32 to index
      %get3A_291 = arith.constant 320 : index
      %get3A_292 = tpu.vector_load %arg7[%get3A_290, %get3A_291] {strides = array<i32>} : memref<128x512xf32, #tpu.memory_space<vmem>>, vector<1x16xf32>,
      %get3A_293 = vector.shape_cast %get3A_292 : vector<1x16xf32> to vector<16xf32>
      %sub3A_294 = arith.subf %get3A_287, %get3A_293 : vector<16xf32>
      %mul3A_295 = arith.mulf %sub3A_294, %sub3A_294 : vector<16xf32>
      %add3A_296 = arith.addf %add3A_283, %mul3A_295 : vector<16xf32>
      %get3A_297 = arith.index_cast %scan3A_24 : i32 to index
      %get3A_298 = arith.constant 336 : index
      %get3A_299 = tpu.vector_load %arg8[%get3A_297, %get3A_298] {strides = array<i32>} : memref<64x512xf32, #tpu.memory_space<vmem>>, vector<1x16xf32>,
      %get3A_300 = vector.shape_cast %get3A_299 : vector<1x16xf32> to vector<16xf32>
      %add3A_301 = arith.constant 64 : i32
      %add3A_302 = arith.addi %add3A_301, %scan3A_24 : i32
      %get3A_303 = arith.index_cast %add3A_302 : i32 to index
      %get3A_304 = arith.constant 336 : index
      %get3A_305 = tpu.vector_load %arg7[%get3A_303, %get3A_304] {strides = array<i32>} : memref<128x512xf32, #tpu.memory_space<vmem>>, vector<1x16xf32>,
      %get3A_306 = vector.shape_cast %get3A_305 : vector<1x16xf32> to vector<16xf32>
      %sub3A_307 = arith.subf %get3A_300, %get3A_306 : vector<16xf32>
      %mul3A_308 = arith.mulf %sub3A_307, %sub3A_307 : vector<16xf32>
      %add3A_309 = arith.addf %add3A_296, %mul3A_308 : vector<16xf32>
      %get3A_310 = arith.index_cast %scan3A_24 : i32 to index
      %get3A_311 = arith.constant 352 : index
      %get3A_312 = tpu.vector_load %arg8[%get3A_310, %get3A_311] {strides = array<i32>} : memref<64x512xf32, #tpu.memory_space<vmem>>, vector<1x16xf32>,
      %get3A_313 = vector.shape_cast %get3A_312 : vector<1x16xf32> to vector<16xf32>
      %add3A_314 = arith.constant 64 : i32
      %add3A_315 = arith.addi %add3A_314, %scan3A_24 : i32
      %get3A_316 = arith.index_cast %add3A_315 : i32 to index
      %get3A_317 = arith.constant 352 : index
      %get3A_318 = tpu.vector_load %arg7[%get3A_316, %get3A_317] {strides = array<i32>} : memref<128x512xf32, #tpu.memory_space<vmem>>, vector<1x16xf32>,
      %get3A_319 = vector.shape_cast %get3A_318 : vector<1x16xf32> to vector<16xf32>
      %sub3A_320 = arith.subf %get3A_313, %get3A_319 : vector<16xf32>
      %mul3A_321 = arith.mulf %sub3A_320, %sub3A_320 : vector<16xf32>
      %add3A_322 = arith.addf %add3A_309, %mul3A_321 : vector<16xf32>
      %get3A_323 = arith.index_cast %scan3A_24 : i32 to index
      %get3A_324 = arith.constant 368 : index
      %get3A_325 = tpu.vector_load %arg8[%get3A_323, %get3A_324] {strides = array<i32>} : memref<64x512xf32, #tpu.memory_space<vmem>>, vector<1x16xf32>,
      %get3A_326 = vector.shape_cast %get3A_325 : vector<1x16xf32> to vector<16xf32>
      %add3A_327 = arith.constant 64 : i32
      %add3A_328 = arith.addi %add3A_327, %scan3A_24 : i32
      %get3A_329 = arith.index_cast %add3A_328 : i32 to index
      %get3A_330 = arith.constant 368 : index
      %get3A_331 = tpu.vector_load %arg7[%get3A_329, %get3A_330] {strides = array<i32>} : memref<128x512xf32, #tpu.memory_space<vmem>>, vector<1x16xf32>,
      %get3A_332 = vector.shape_cast %get3A_331 : vector<1x16xf32> to vector<16xf32>
      %sub3A_333 = arith.subf %get3A_326, %get3A_332 : vector<16xf32>
      %mul3A_334 = arith.mulf %sub3A_333, %sub3A_333 : vector<16xf32>
      %add3A_335 = arith.addf %add3A_322, %mul3A_334 : vector<16xf32>
      %get3A_336 = arith.index_cast %scan3A_24 : i32 to index
      %get3A_337 = arith.constant 384 : index
      %get3A_338 = tpu.vector_load %arg8[%get3A_336, %get3A_337] {strides = array<i32>} : memref<64x512xf32, #tpu.memory_space<vmem>>, vector<1x16xf32>,
      %get3A_339 = vector.shape_cast %get3A_338 : vector<1x16xf32> to vector<16xf32>
      %add3A_340 = arith.constant 64 : i32
      %add3A_341 = arith.addi %add3A_340, %scan3A_24 : i32
      %get3A_342 = arith.index_cast %add3A_341 : i32 to index
      %get3A_343 = arith.constant 384 : index
      %get3A_344 = tpu.vector_load %arg7[%get3A_342, %get3A_343] {strides = array<i32>} : memref<128x512xf32, #tpu.memory_space<vmem>>, vector<1x16xf32>,
      %get3A_345 = vector.shape_cast %get3A_344 : vector<1x16xf32> to vector<16xf32>
      %sub3A_346 = arith.subf %get3A_339, %get3A_345 : vector<16xf32>
      %mul3A_347 = arith.mulf %sub3A_346, %sub3A_346 : vector<16xf32>
      %add3A_348 = arith.addf %add3A_335, %mul3A_347 : vector<16xf32>
      %get3A_349 = arith.index_cast %scan3A_24 : i32 to index
      %get3A_350 = arith.constant 400 : index
      %get3A_351 = tpu.vector_load %arg8[%get3A_349, %get3A_350] {strides = array<i32>} : memref<64x512xf32, #tpu.memory_space<vmem>>, vector<1x16xf32>,
      %get3A_352 = vector.shape_cast %get3A_351 : vector<1x16xf32> to vector<16xf32>
      %add3A_353 = arith.constant 64 : i32
      %add3A_354 = arith.addi %add3A_353, %scan3A_24 : i32
      %get3A_355 = arith.index_cast %add3A_354 : i32 to index
      %get3A_356 = arith.constant 400 : index
      %get3A_357 = tpu.vector_load %arg7[%get3A_355, %get3A_356] {strides = array<i32>} : memref<128x512xf32, #tpu.memory_space<vmem>>, vector<1x16xf32>,
      %get3A_358 = vector.shape_cast %get3A_357 : vector<1x16xf32> to vector<16xf32>
      %sub3A_359 = arith.subf %get3A_352, %get3A_358 : vector<16xf32>
      %mul3A_360 = arith.mulf %sub3A_359, %sub3A_359 : vector<16xf32>
      %add3A_361 = arith.addf %add3A_348, %mul3A_360 : vector<16xf32>
      %get3A_362 = arith.index_cast %scan3A_24 : i32 to index
      %get3A_363 = arith.constant 416 : index
      %get3A_364 = tpu.vector_load %arg8[%get3A_362, %get3A_363] {strides = array<i32>} : memref<64x512xf32, #tpu.memory_space<vmem>>, vector<1x16xf32>,
      %get3A_365 = vector.shape_cast %get3A_364 : vector<1x16xf32> to vector<16xf32>
      %add3A_366 = arith.constant 64 : i32
      %add3A_367 = arith.addi %add3A_366, %scan3A_24 : i32
      %get3A_368 = arith.index_cast %add3A_367 : i32 to index
      %get3A_369 = arith.constant 416 : index
      %get3A_370 = tpu.vector_load %arg7[%get3A_368, %get3A_369] {strides = array<i32>} : memref<128x512xf32, #tpu.memory_space<vmem>>, vector<1x16xf32>,
      %get3A_371 = vector.shape_cast %get3A_370 : vector<1x16xf32> to vector<16xf32>
      %sub3A_372 = arith.subf %get3A_365, %get3A_371 : vector<16xf32>
      %mul3A_373 = arith.mulf %sub3A_372, %sub3A_372 : vector<16xf32>
      %add3A_374 = arith.addf %add3A_361, %mul3A_373 : vector<16xf32>
      %get3A_375 = arith.index_cast %scan3A_24 : i32 to index
      %get3A_376 = arith.constant 432 : index
      %get3A_377 = tpu.vector_load %arg8[%get3A_375, %get3A_376] {strides = array<i32>} : memref<64x512xf32, #tpu.memory_space<vmem>>, vector<1x16xf32>,
      %get3A_378 = vector.shape_cast %get3A_377 : vector<1x16xf32> to vector<16xf32>
      %add3A_379 = arith.constant 64 : i32
      %add3A_380 = arith.addi %add3A_379, %scan3A_24 : i32
      %get3A_381 = arith.index_cast %add3A_380 : i32 to index
      %get3A_382 = arith.constant 432 : index
      %get3A_383 = tpu.vector_load %arg7[%get3A_381, %get3A_382] {strides = array<i32>} : memref<128x512xf32, #tpu.memory_space<vmem>>, vector<1x16xf32>,
      %get3A_384 = vector.shape_cast %get3A_383 : vector<1x16xf32> to vector<16xf32>
      %sub3A_385 = arith.subf %get3A_378, %get3A_384 : vector<16xf32>
      %mul3A_386 = arith.mulf %sub3A_385, %sub3A_385 : vector<16xf32>
      %add3A_387 = arith.addf %add3A_374, %mul3A_386 : vector<16xf32>
      %get3A_388 = arith.index_cast %scan3A_24 : i32 to index
      %get3A_389 = arith.constant 448 : index
      %get3A_390 = tpu.vector_load %arg8[%get3A_388, %get3A_389] {strides = array<i32>} : memref<64x512xf32, #tpu.memory_space<vmem>>, vector<1x16xf32>,
      %get3A_391 = vector.shape_cast %get3A_390 : vector<1x16xf32> to vector<16xf32>
      %add3A_392 = arith.constant 64 : i32
      %add3A_393 = arith.addi %add3A_392, %scan3A_24 : i32
      %get3A_394 = arith.index_cast %add3A_393 : i32 to index
      %get3A_395 = arith.constant 448 : index
      %get3A_396 = tpu.vector_load %arg7[%get3A_394, %get3A_395] {strides = array<i32>} : memref<128x512xf32, #tpu.memory_space<vmem>>, vector<1x16xf32>,
      %get3A_397 = vector.shape_cast %get3A_396 : vector<1x16xf32> to vector<16xf32>
      %sub3A_398 = arith.subf %get3A_391, %get3A_397 : vector<16xf32>
      %mul3A_399 = arith.mulf %sub3A_398, %sub3A_398 : vector<16xf32>
      %add3A_400 = arith.addf %add3A_387, %mul3A_399 : vector<16xf32>
      %get3A_401 = arith.index_cast %scan3A_24 : i32 to index
      %get3A_402 = arith.constant 464 : index
      %get3A_403 = tpu.vector_load %arg8[%get3A_401, %get3A_402] {strides = array<i32>} : memref<64x512xf32, #tpu.memory_space<vmem>>, vector<1x16xf32>,
      %get3A_404 = vector.shape_cast %get3A_403 : vector<1x16xf32> to vector<16xf32>
      %add3A_405 = arith.constant 64 : i32
      %add3A_406 = arith.addi %add3A_405, %scan3A_24 : i32
      %get3A_407 = arith.index_cast %add3A_406 : i32 to index
      %get3A_408 = arith.constant 464 : index
      %get3A_409 = tpu.vector_load %arg7[%get3A_407, %get3A_408] {strides = array<i32>} : memref<128x512xf32, #tpu.memory_space<vmem>>, vector<1x16xf32>,
      %get3A_410 = vector.shape_cast %get3A_409 : vector<1x16xf32> to vector<16xf32>
      %sub3A_411 = arith.subf %get3A_404, %get3A_410 : vector<16xf32>
      %mul3A_412 = arith.mulf %sub3A_411, %sub3A_411 : vector<16xf32>
      %add3A_413 = arith.addf %add3A_400, %mul3A_412 : vector<16xf32>
      %get3A_414 = arith.index_cast %scan3A_24 : i32 to index
      %get3A_415 = arith.constant 480 : index
      %get3A_416 = tpu.vector_load %arg8[%get3A_414, %get3A_415] {strides = array<i32>} : memref<64x512xf32, #tpu.memory_space<vmem>>, vector<1x16xf32>,
      %get3A_417 = vector.shape_cast %get3A_416 : vector<1x16xf32> to vector<16xf32>
      %add3A_418 = arith.constant 64 : i32
      %add3A_419 = arith.addi %add3A_418, %scan3A_24 : i32
      %get3A_420 = arith.index_cast %add3A_419 : i32 to index
      %get3A_421 = arith.constant 480 : index
      %get3A_422 = tpu.vector_load %arg7[%get3A_420, %get3A_421] {strides = array<i32>} : memref<128x512xf32, #tpu.memory_space<vmem>>, vector<1x16xf32>,
      %get3A_423 = vector.shape_cast %get3A_422 : vector<1x16xf32> to vector<16xf32>
      %sub3A_424 = arith.subf %get3A_417, %get3A_423 : vector<16xf32>
      %mul3A_425 = arith.mulf %sub3A_424, %sub3A_424 : vector<16xf32>
      %add3A_426 = arith.addf %add3A_413, %mul3A_425 : vector<16xf32>
      %get3A_427 = arith.index_cast %scan3A_24 : i32 to index
      %get3A_428 = arith.constant 496 : index
      %get3A_429 = tpu.vector_load %arg8[%get3A_427, %get3A_428] {strides = array<i32>} : memref<64x512xf32, #tpu.memory_space<vmem>>, vector<1x16xf32>,
      %get3A_430 = vector.shape_cast %get3A_429 : vector<1x16xf32> to vector<16xf32>
      %add3A_431 = arith.constant 64 : i32
      %add3A_432 = arith.addi %add3A_431, %scan3A_24 : i32
      %get3A_433 = arith.index_cast %add3A_432 : i32 to index
      %get3A_434 = arith.constant 496 : index
      %get3A_435 = tpu.vector_load %arg7[%get3A_433, %get3A_434] {strides = array<i32>} : memref<128x512xf32, #tpu.memory_space<vmem>>, vector<1x16xf32>,
      %get3A_436 = vector.shape_cast %get3A_435 : vector<1x16xf32> to vector<16xf32>
      %sub3A_437 = arith.subf %get3A_430, %get3A_436 : vector<16xf32>
      %mul3A_438 = arith.mulf %sub3A_437, %sub3A_437 : vector<16xf32>
      %add3A_439 = arith.addf %add3A_426, %mul3A_438 : vector<16xf32>
      scf.yield %add3A_439 : vector<16xf32>
    }
    %scan3A_20 = arith.constant 64 : i32
    %swap3A = arith.constant 0 : index
    %swap3A_21 = tpu.vector_load %arg9[%swap3A] {strides = array<i32>} : memref<16xf32, #tpu.memory_space<vmem>>, vector<16xf32>,
    %swap3A_22 = vector.shape_cast %swap3A_21 : vector<16xf32> to vector<16xf32>
    %swap3A_23 = vector.shape_cast %scan3A_19 : vector<16xf32> to vector<16xf32>
    tpu.vector_store %arg9[%swap3A], %swap3A_23 {strides = array<i32>} : memref<16xf32, #tpu.memory_space<vmem>>, vector<16xf32>,
    "tpu.region"() ({
      %run_scoped3A = tpu.sem_alloc : memref<!tpu.dma_semaphore, #tpu.memory_space<semaphore_mem>>
      %dma_start3A_24 = arith.constant 0 : i32
      %dma_start3A_25 = tpu.memref_slice %arg5[%add3A, %dma_start3A_24] : memref<32x16xf32, #tpu.memory_space<hbm>> -> memref<1x16xf32, #tpu.memory_space<hbm>>
      %dma_start3A_26 = tpu.memref_squeeze %dma_start3A_25 : memref<1x16xf32, #tpu.memory_space<hbm>> -> memref<16xf32, #tpu.memory_space<hbm>>
      %dma_start3A_27 = arith.constant 0 : i32
      %dma_start3A_28 = tpu.memref_slice %arg5[%add3A, %dma_start3A_27] : memref<32x16xf32, #tpu.memory_space<hbm>> -> memref<1x16xf32, #tpu.memory_space<hbm>>
      %dma_start3A_29 = tpu.memref_squeeze %dma_start3A_28 : memref<1x16xf32, #tpu.memory_space<hbm>> -> memref<16xf32, #tpu.memory_space<hbm>>
      tpu.enqueue_dma source(%arg9 : memref<16xf32, #tpu.memory_space<vmem>>) target(%dma_start3A_29 : memref<16xf32, #tpu.memory_space<hbm>>) target_semaphore(%run_scoped3A : memref<!tpu.dma_semaphore, #tpu.memory_space<semaphore_mem>>)
      %dma_wait3A_30 = arith.constant 0 : i32
      %dma_wait3A_31 = tpu.memref_slice %arg5[%add3A, %dma_wait3A_30] : memref<32x16xf32, #tpu.memory_space<hbm>> -> memref<1x16xf32, #tpu.memory_space<hbm>>
      %dma_wait3A_32 = tpu.memref_squeeze %dma_wait3A_31 : memref<1x16xf32, #tpu.memory_space<hbm>> -> memref<16xf32, #tpu.memory_space<hbm>>
      %dma_wait3A_33 = arith.constant 0 : i32
      %dma_wait3A_34 = tpu.memref_slice %arg5[%add3A, %dma_wait3A_33] : memref<32x16xf32, #tpu.memory_space<hbm>> -> memref<1x16xf32, #tpu.memory_space<hbm>>
      %dma_wait3A_35 = tpu.memref_squeeze %dma_wait3A_34 : memref<1x16xf32, #tpu.memory_space<hbm>> -> memref<16xf32, #tpu.memory_space<hbm>>
      tpu.wait_dma2 semaphore(%run_scoped3A : memref<!tpu.dma_semaphore, #tpu.memory_space<semaphore_mem>>) src(%arg9 : memref<16xf32, #tpu.memory_space<vmem>>) dst(%dma_wait3A_35 : memref<16xf32, #tpu.memory_space<hbm>>)
      tpu.yield
    }) : () -> ()
    return
  }
}

</mosaic_0001>

<sc_bundles>
// kernel: kernel.3.cloned.1.call-start
scs
__scs_entry_jumppad:
0x0: {  	(pc) =	sbr.rel $0x88, $3  }
0x1: {  	(tag) =	ssettag $0x0;
	lr =	simm.s32 $0x1  }
0x2: {  	[smem:$0x3F9E] =	sst lr;
	_ =	strace $0xD0000000  }
0x3: {  	_ = 	snop  }
0x4: {  	_ = 	snop  }
0x5: {  	_ = 	snop  }
0x6: {  	_ = 	snop  }
0x7: {  	_ = 	snop  }
__scs_overlays_trampoline_lowered:
0x8: {  	[smem:$0x3FAD] =	sst s0  }
0x9: {  	[smem:$0x3FAE] =	sst s1  }
0xa: {  	[smem:$0x3FAF] =	sst s2  }
0xb: {  	[smem:$0x3FB0] =	sst s3  }
0xc: {  	[smem:$0x3FB1] =	sst s4  }
0xd: {  	[smem:$0x3FB2] =	sst s5  }
0xe: {  	[smem:$0x3FB3] =	sst s6  }
0xf: {  	[smem:$0x3FB4] =	sst s7  }
0x10: {  	[smem:$0x3FB5] =	sst s8  }
0x11: {  	[smem:$0x3FB6] =	sst s9;
	s0 =	simm.s32 @!p0 $0x0  }
0x12: {  	s1 =	sld [smem:$0x3F9C];
	s0 =	simm.s32 @p0 $0x1  }
0x13: {  	[smem:$0x3FB7] =	sst s0;
	s0 =	simm.s32 @!p1 $0x0  }
0x14: {  	s2 =	sld [smem:$0x3F9B];
	s0 =	simm.s32 @p1 $0x1  }
0x15: {  	[smem:$0x3FB8] =	sst s0;
	s0 =	simm.s32 @!p2 $0x0  }
0x16: {  	s3 =	sld [smem:$0x3FDB];
	s0 =	simm.s32 @p2 $0x1  }
0x17: {  	s4 =	simm.s32 $0x1BF5;
	[smem:$0x3FBA] =	sst s0  }
0x18: {  	s0 =	sld [smem:$0x3F9D];
	_ =	swait.ge [sflag:s4], $0x0  }
0x19: {  	s7 =	sld [smem:$0x3F9E]  }
0x1a: {  	s8 =	sadd.s32 $0xFFFFE003, lr  }
0x1b: {  	s9 =	sadd.s32 $0xFFFFFEF7, lr;
	s5 =	simm.s32 $0xFFFFFFFF;
	p2 =	slt.u32 s8, $0xFFFFF086  }
0x1c: {  	p1 =	slt.u32 s9, $0xF7A;
	s5 =	simm.s32 @!p2 $0x0  }
0x1d: {  	s5 =	simm.s32 @p1 $0x1;
	p0 =	seq.s32 s7, s2  }
0x1e: {  	s7 =	smul.u32 @!p0 $0xF7A, s2;
	p2 =	seq.s32 @!p0 s5, $0x0  }
0x1f: {  	s9 =	smul.u32 $0xF7A, s1;
	s8 =	simm.s32 @!p0 $0x1BF5;
	p2 =	por !p2, p0  }
0x20: {  	[sflag:s8] =	ssyncset.s32 @!p0 $0xFFFFF086;
	s6 =	sadd.s32 @!p0 s3, s7;
	s7 =	simm.s32 @!p0 $0x108  }
0x21: {  	s3 =	sadd.s32 s3, s9;
	s6 =	sadd.s32 @!p0 $0x88, s6;
	s7 =	simm.s32 @p2 $0x1082  }
0x22: {  	[simem:s7], [sflag:s8] =	dma.local @!p0 [hbm:s6], $0xF7A  }
0x23: {  	s9 =	sor.u32 $0xD0000000, s2;
	s6 =	simm.s32 $0x108;
	_ =	swait.ge @!p0 [sflag:s8], $0x0  }
0x24: {  	s3 =	sadd.s32 $0x88, s3;
	s6 =	simm.s32 @!p1 $0x1082;
	[sflag:s4] =	ssyncset.s32 $0xFFFFF086  }
0x25: {  	[simem:s6], [sflag:s4] =	dma.local [hbm:s3], $0xF7A  }
0x26: {  	[smem:$0x3F9E] =	sst s1;
	(tag) =	ssettag s2;
	_ =	strace s9  }
0x27: {  	s1 =	sld [smem:$0x3FAE]  }
0x28: {  	s2 =	sld [smem:$0x3FAF]  }
0x29: {  	s4 =	sld [smem:$0x3FB1]  }
0x2a: {  	p0 =	seq.s32 s5, $0x0;
	s5 =	sld [smem:$0x3FB2]  }
0x2b: {  	s6 =	sld [smem:$0x3FB3]  }
0x2c: {  	s7 =	sld [smem:$0x3FB4]  }
0x2d: {  	s3 =	simm.s32 $0x108;
	s8 =	sld [smem:$0x3FB5]  }
0x2e: {  	s3 =	simm.s32 @!p0 $0x1082;
	s9 =	sld [smem:$0x3FB6]  }
0x2f: {  	lr =	sadd.s32 s0, s3;
	s0 =	sld [smem:$0x3FAD]  }
0x30: {  	s3 =	sld [smem:$0x3FB0]  }
0x31: {  	[smem:$0x3FB9] =	sst s10  }
0x32: {  	s10 =	sld [smem:$0x3FB7];
	_ =	sdelay $0x3  }
0x33: {  	p0 =	seq.s32 s10, $0x1;
	s10 =	sld [smem:$0x3FB9];
	_ =	sdelay $0x3  }
0x34: {  	[smem:$0x3FB9] =	sst s10  }
0x35: {  	s10 =	sld [smem:$0x3FB8];
	_ =	sdelay $0x3  }
0x36: {  	p1 =	seq.s32 s10, $0x1;
	s10 =	sld [smem:$0x3FB9];
	_ =	sdelay $0x3  }
0x37: {  	[smem:$0x3FB9] =	sst s10  }
0x38: {  	s10 =	sld [smem:$0x3FBA]  }
0x39: {  	_ = 	snop;
	(pc) =	sbr.ind lr, $3  }
0x3a: {  	_ = 	snop  }
0x3b: {  	_ = 	snop  }
0x3c: {  	p2 =	seq.s32 s10, $0x1;
	s10 =	sld [smem:$0x3FB9]  }
0x3d: {  	_ =	shalt  }
0x3e: {  	_ =	shalt  }
0x3f: {  	_ =	shalt  }
0x40: {  	_ =	shalt  }
0x41: {  	_ =	shalt  }
0x42: {  	_ =	shalt  }
0x43: {  	_ =	shalt  }
0x44: {  	_ =	shalt  }
0x45: {  	_ =	shalt  }
0x46: {  	_ =	shalt  }
0x47: {  	_ =	shalt  }
0x48: {  	_ =	shalt  }
0x49: {  	_ =	shalt  }
0x4a: {  	_ =	shalt  }
0x4b: {  	_ =	shalt  }
0x4c: {  	_ =	shalt  }
0x4d: {  	_ =	shalt  }
0x4e: {  	_ =	shalt  }
0x4f: {  	_ =	shalt  }
0x50: {  	_ =	shalt  }
0x51: {  	_ =	shalt  }
0x52: {  	_ =	shalt  }
0x53: {  	_ =	shalt  }
0x54: {  	_ =	shalt  }
0x55: {  	_ =	shalt  }
0x56: {  	_ =	shalt  }
0x57: {  	_ =	shalt  }
0x58: {  	_ =	shalt  }
0x59: {  	_ =	shalt  }
0x5a: {  	_ =	shalt  }
0x5b: {  	_ =	shalt  }
0x5c: {  	_ =	shalt  }
0x5d: {  	_ =	shalt  }
0x5e: {  	_ =	shalt  }
0x5f: {  	_ =	shalt  }
0x60: {  	_ =	shalt  }
0x61: {  	_ =	shalt  }
0x62: {  	_ =	shalt  }
0x63: {  	_ =	shalt  }
0x64: {  	_ =	shalt  }
0x65: {  	_ =	shalt  }
0x66: {  	_ =	shalt  }
0x67: {  	_ =	shalt  }
0x68: {  	_ =	shalt  }
0x69: {  	_ =	shalt  }
0x6a: {  	_ =	shalt  }
0x6b: {  	_ =	shalt  }
0x6c: {  	_ =	shalt  }
0x6d: {  	_ =	shalt  }
0x6e: {  	_ =	shalt  }
0x6f: {  	_ =	shalt  }
0x70: {  	_ =	shalt  }
0x71: {  	_ =	shalt  }
0x72: {  	_ =	shalt  }
0x73: {  	_ =	shalt  }
0x74: {  	_ =	shalt  }
0x75: {  	_ =	shalt  }
0x76: {  	_ =	shalt  }
0x77: {  	_ =	shalt  }
0x78: {  	_ =	shalt  }
0x79: {  	_ =	shalt  }
0x7a: {  	_ =	shalt  }
0x7b: {  	_ =	shalt  }
0x7c: {  	_ =	shalt  }
0x7d: {  	_ =	shalt  }
0x7e: {  	_ =	shalt  }
0x7f: {  	_ =	shalt  }
0x80: {  	_ =	shalt  }
0x81: {  	_ =	shalt  }
0x82: {  	_ =	shalt  }
0x83: {  	_ =	shalt  }
0x84: {  	_ =	shalt  }
0x85: {  	_ =	shalt  }
0x86: {  	_ =	shalt  }
0x87: {  	_ =	shalt  }
.Lfunc_end0:
.L_simem_size_0:
called_computation_lowered:
.L_overlay_start_0:
0x88: {  	s2 =	sld [smem:$0x3FD9]  }
0x89: {  	s3 =	sld [smem:$0x3FFE];
	_ =	sdelay $0x1  }
0x8a: {  	s1 =	srdreg.scid  }
0x8b: {  	s0 =	sand.u32 $0x1, s1  }
0x8c: {  	s17 =	sshll.u32 s0, $0xA;
	s2 =	sadd.s32 s3, s2  }
0x8d: {  	s2 =	sadd.s32 s2, s17  }
0x8e: {  	[smem:$0x3FC5] =	sst s2  }
0x8f: {  	_ = 	snop  }
0x90: {  	s2 =	sld [smem:$0x3FC9]  }
0x91: {  	s18 =	sld [smem:$0x3FC8]  }
0x92: {  	s4 =	sld [smem:$0x3FC7];
	(tm) =	ssettm $0x1  }
0x93: {  	s5 =	sld [smem:$0x3FFB];
	_ =	sdelay $0x3  }
0x94: {  	_ =	strace s5  }
0x95: {  	s5 =	sld [smem:$0x3FFC];
	_ =	sdelay $0x3  }
0x96: {  	_ =	strace s5  }
0x97: {  	s5 =	sld [smem:$0x3FFD];
	_ =	sdelay $0x3  }
0x98: {  	_ =	strace s5  }
0x99: {  	_ =	strace $0x8FFFFFFF  }
0x9a: {  	s19 =	sld [smem:$0x3FDB];
	_ =	sdelay $0x1  }
0x9b: {  	s6 =	simm.s32 $_scs_section_size  }
0x9c: {  	s7 =	simm.s32 $_size__tile_overlayer_lowered;
	s8 =	simm.s32 $_tile_overlayer_lowered  }
0x9d: {  	s22 =	simm.s32 $0x1BFF;
	s21 =	sshll.u32 s8, $0x1;
	s5 =	sadd.s32 s6, s19  }
0x9e: {  	s9 =	simm.s32 $0x0;
	s20 =	sshll.u32 s7, $0x1;
	s7 =	sadd.s32 s21, s5  }
0x9f: {  	[timem:s9], [sflag:s22] =	dma.local [hbm:s7], s20  }
0xa0: {  	_ =	swait.ge [sflag:s22], s20  }
0xa1: {  	s6 =	ssub.s32 $0x0, s20;
	[sflag:s22] =	ssyncset.done $0x0  }
0xa2: {  	[sflag:s22] =	ssyncadd.s32 s6;
	_ =	sdelay $0x1  }
0xa3: {  	s23 =	simm.s32 $0x1B8B  }
0xa4: {  	_ =	swait.ge [sflag:s23], $0x1  }
0xa5: {  	[sflag:s23] =	ssyncset.done $0x0  }
0xa6: {  	s25 =	simm.s32 $0x1B8E;
	s24 =	sld [smem:$0x3FFE];
	[sflag:s23] =	ssyncadd.s32 $0xFFFFFFFF  }
0xa7: {  	s26 =	simm.s32 $execute0_lowered;
	[smem:$0x3FD2] =	sst s25  }
0xa8: {  	s7 =	sshll.u32 s26, $0x1;
	_ =	strace $0x80000046;
	[dreg:$0x1] =	wrdreg $0xFFFFFFFF  }
0xa9: {  	s28 =	simm.s32 $_size_execute0_lowered;
	s5 =	sadd.s32 s5, s7;
	[dreg:$0x0] =	wrdreg $0x0  }
0xaa: {  	s7 =	sshll.u32 s28, $0x1;
	[dreg:$0x2] =	wrdreg s5  }
0xab: {  	[dreg:$0x3] =	wrdreg s7  }
0xac: {  	[dreg:$0x4] =	wrdreg $0xC0  }
0xad: {  	_ =	task [dreg:s9], $0x5FFFF  }
0xae: {  	[dreg:$0x1] =	wrdreg $0xFFFFFFFF  }
0xaf: {  	[dreg:$0x0] =	wrdreg $0x60  }
0xb0: {  	[dreg:$0x2] =	wrdreg s2  }
0xb1: {  	[dreg:$0x3] =	wrdreg s18  }
0xb2: {  	[dreg:$0x4] =	wrdreg s4  }
0xb3: {  	[dreg:$0x5] =	wrdreg s24  }
0xb4: {  	[dreg:$0x6] =	wrdreg $0x9  }
0xb5: {  	_ =	task.clear_ibuf [dreg:s9], $0x7FFFF;
	_ =	strace $0x90000046  }
0xb6: {  	s29 =	simm.s32 $0x9;
	_ =	strace $0x80000048  }
0xb7: {  	_ =	swait.ge [sflag:s29], $0x1  }
0xb8: {  	[sflag:s29] =	ssyncadd.s32 $0xFFFFFFFF  }
0xb9: {  	_ =	strace $0x90000048  }
0xba: {  	_ =	sfence  }
0xbb: {  	s30 =	sld [smem:$0x0];
	_ =	sdelay $0x2  }
0xbc: {  	s31 =	sshll.u32 s1, $0xD;
	s1 =	sshrl.u32 s1, $0x2  }
0xbd: {  	s3 =	sand.u32 $0x4000, s31;
	s1 =	sadd.s32 s1, s30  }
0xbe: {  	s0 =	sor.u32 s3, s0;
	s1 =	sshll.u32 s1, $0x11  }
0xbf: {  	s0 =	sor.u32 s1, s0  }
0xc0: {  	s0 =	sadd.s32 $0x8F2B, s0  }
0xc1: {  	[sflag:s0] =	ssyncadd.remote.s32 $0x1  }
0xc2: {  	_ =	sfence.sel $0xFFFF  }
0xc3: {  	[dreg:$0x0] =	wrdreg $0xFFFFFFFF;
	(pc) =	sbr.abs _section_cstart, $3  }
0xc4: {  	[dreg:$0x1] =	wrdreg $0xFFFFFFFF  }
0xc5: {  	_ =	task.clear_ibuf [dreg:s9], $0x2FFFF;
	_ =	strace $0x9FFFFFFF  }
0xc6: {  	(tm) =	ssettm $0x7FFFFFFF  }
0xc7: {  	_ =	shalt  }
tec
execute0_lowered:
.L_overlay_start_1:
0x0: {  	(tag) =	ssettag $0x1  }
0x1: {  	s0 =	rddreg [dreg:$0x0]  }
0x2: {  	s1 =	rddreg [dreg:$0x1]  }
0x3: {  	s2 =	rddreg [dreg:$0x2]  }
0x4: {  	s8 =	rddreg [dreg:$0x3];
	s4 =	srdreg.scid  }
0x5: {  	s5 =	stileid.u32;
	s3 =	simm.s32 $0x0;
	s31 =	simm.s32 $0x9880  }
0x6: {  	s11 =	simm.s32 $0xB080;
	s12 =	simm.s32 $0xB880;
	s13 =	simm.s32 $0xC080  }
0x7: {  	s14 =	simm.s32 $0xC880;
	s15 =	simm.s32 $0xD080;
	s16 =	simm.s32 $0xD880  }
0x8: {  	s17 =	simm.s32 $0xE080;
	s18 =	simm.s32 $0xE880;
	s19 =	simm.s32 $0xF080  }
0x9: {  	s20 =	simm.s32 $0xF880;
	s21 =	simm.s32 $0x10080;
	s22 =	simm.s32 $0x1  }
0xa: {  	s23 =	simm.s32 $0x18080;
	s24 =	simm.s32 $0x0;
	s4 =	sand.u32 $0x1, s4  }
0xb: {  	s5 =	sshll.u32 s5, $0x1;
	[smem:$0x7FF] =	sst s3;
	s6 =	ssub.s32 $0x2, s4  }
0xc: {  	s4 =	sor.u32 s4, s5;
	_ =	strace $0x80000047;
	s30 =	sshrl.u32 s6, $0x1  }
0xd: {  	s7 =	sshll.u32 s4, $0xD;
	s10 =	sshll.u32 s4, $0x4;
	s9 =	ssub.s32 s6, s30  }
0xe: {  	v2 =	vlaneseq.u32;
	s4 =	sadd.s32 s0, s7;
	s5 =	sadd.s32 s1, s10;
	s6 =	sadd.s32 $0x100, s2  }
0xf: {  	vm0 =	vmmov $0xffff;
	v1 =	vshrl.u32 v2, $0x3;
	s8 =	sadd.s32 s8, s10;
	s10 =	simm.s32 $0x2;
	s0 =	simm.s32 $0xA080  }
0x10: {  	v0 =	vand.u32 $0x7, v2;
	v2 =	vor.u32 $0x8, v2;
	v1 =	vmul.u32 $0x8, v1;
	s1 =	simm.s32 $0xA880;
	s7 =	sadd.s32 $0x1000, s4;
	s9 =	smax.u32 s9, $0x1  }
.LBB2_1:
0x11: {  	[tilespmem:s3], [sflag:$0x2] =	stream.linear.gather [hbm4b:s5+s3], $0x80, $0x38;
	[tilespmem:$0x18100] =	vst v63  }
0x12: {  	_ =	swait.ge [sflag:s10], $0x80  }
0x13: {  	[sflag:s10] =	ssyncset.done $0x0  }
0x14: {  	[sflag:s10] =	ssyncadd.s32 $0xFFFFFF80  }
0x15: {  	v3 =	vld [tilespmem:$0x0];
	_ =	sdelay $0x4  }
0x16: {  	v4 =	vshll.u32 v3, $0x2  }
0x17: {  	v3 =	vand.u32 $0x7, v3;
	v4 =	vand.u32 $0xFFFFFFE0, v4  }
0x18: {  	v3 =	vor.u32 v3, v4  }
0x19: {  	v4 =	vperm.xlane v3, v0;
	_ =	sdelay $0x1  }
0x1a: {  	v4 =	vadd.s32 v1, v4;
	_ =	sdelay $0x1  }
0x1b: {  	v3 =	vperm.xlane v3, v2;
	_ =	sdelay $0x1  }
0x1c: {  	s25 =	simm.s32 $0x80;
	v3 =	vadd.s32 v1, v3  }
0x1d: {  	[tilespmem:s25], [sflag:$0x1] =	stream.indirect_vreg.gather [hbm4b:s2+s3], $0x80, v4, vm0, $0xb8;
	[tilespmem:$0x18100] =	vst v63  }
0x1e: {  	s29 =	simm.s32 $0x880  }
0x1f: {  	[tilespmem:s29], [sflag:$0x1] =	stream.indirect_vreg.gather [hbm4b:s6+s3], $0x80, v4, vm0, $0xb8;
	[tilespmem:$0x18100] =	vst v63  }
0x20: {  	s30 =	simm.s32 $0x1080  }
0x21: {  	[tilespmem:s30], [sflag:$0x1] =	stream.indirect_vreg.gather [hbm4b:s2+s3], $0x80, v3, vm0, $0xb8;
	[tilespmem:$0x18100] =	vst v63  }
0x22: {  	s26 =	simm.s32 $0x1880  }
0x23: {  	[tilespmem:s26], [sflag:$0x1] =	stream.indirect_vreg.gather [hbm4b:s6+s3], $0x80, v3, vm0, $0xb8;
	[tilespmem:$0x18100] =	vst v63  }
0x24: {  	v3 =	vld [tilespmem:$0x10];
	_ =	sdelay $0x4  }
0x25: {  	v4 =	vshll.u32 v3, $0x2  }
0x26: {  	v3 =	vand.u32 $0x7, v3;
	v4 =	vand.u32 $0xFFFFFFE0, v4  }
0x27: {  	v3 =	vor.u32 v3, v4  }
0x28: {  	v4 =	vperm.xlane v3, v0;
	_ =	sdelay $0x1  }
0x29: {  	v4 =	vadd.s32 v1, v4;
	_ =	sdelay $0x1  }
0x2a: {  	v3 =	vperm.xlane v3, v2;
	_ =	sdelay $0x1  }
0x2b: {  	s29 =	simm.s32 $0x2080;
	v3 =	vadd.s32 v1, v3  }
0x2c: {  	[tilespmem:s29], [sflag:$0x1] =	stream.indirect_vreg.gather [hbm4b:s2+s3], $0x80, v4, vm0, $0xb8;
	[tilespmem:$0x18100] =	vst v63  }
0x2d: {  	s30 =	simm.s32 $0x2880  }
0x2e: {  	[tilespmem:s30], [sflag:$0x1] =	stream.indirect_vreg.gather [hbm4b:s6+s3], $0x80, v4, vm0, $0xb8;
	[tilespmem:$0x18100] =	vst v63  }
0x2f: {  	s26 =	simm.s32 $0x3080  }
0x30: {  	[tilespmem:s26], [sflag:$0x1] =	stream.indirect_vreg.gather [hbm4b:s2+s3], $0x80, v3, vm0, $0xb8;
	[tilespmem:$0x18100] =	vst v63  }
0x31: {  	s29 =	simm.s32 $0x3880  }
0x32: {  	[tilespmem:s29], [sflag:$0x1] =	stream.indirect_vreg.gather [hbm4b:s6+s3], $0x80, v3, vm0, $0xb8;
	[tilespmem:$0x18100] =	vst v63  }
0x33: {  	v3 =	vld [tilespmem:$0x20];
	_ =	sdelay $0x4  }
0x34: {  	v4 =	vshll.u32 v3, $0x2  }
0x35: {  	v3 =	vand.u32 $0x7, v3;
	v4 =	vand.u32 $0xFFFFFFE0, v4  }
0x36: {  	v3 =	vor.u32 v3, v4  }
0x37: {  	v4 =	vperm.xlane v3, v0;
	_ =	sdelay $0x1  }
0x38: {  	v4 =	vadd.s32 v1, v4;
	_ =	sdelay $0x1  }
0x39: {  	v3 =	vperm.xlane v3, v2;
	_ =	sdelay $0x1  }
0x3a: {  	s30 =	simm.s32 $0x4080;
	v3 =	vadd.s32 v1, v3  }
0x3b: {  	[tilespmem:s30], [sflag:$0x1] =	stream.indirect_vreg.gather [hbm4b:s2+s3], $0x80, v4, vm0, $0xb8;
	[tilespmem:$0x18100] =	vst v63  }
0x3c: {  	s26 =	simm.s32 $0x4880  }
0x3d: {  	[tilespmem:s26], [sflag:$0x1] =	stream.indirect_vreg.gather [hbm4b:s6+s3], $0x80, v4, vm0, $0xb8;
	[tilespmem:$0x18100] =	vst v63  }
0x3e: {  	s29 =	simm.s32 $0x5080  }
0x3f: {  	[tilespmem:s29], [sflag:$0x1] =	stream.indirect_vreg.gather [hbm4b:s2+s3], $0x80, v3, vm0, $0xb8;
	[tilespmem:$0x18100] =	vst v63  }
0x40: {  	s30 =	simm.s32 $0x5880  }
0x41: {  	[tilespmem:s30], [sflag:$0x1] =	stream.indirect_vreg.gather [hbm4b:s6+s3], $0x80, v3, vm0, $0xb8;
	[tilespmem:$0x18100] =	vst v63  }
0x42: {  	v3 =	vld [tilespmem:$0x30];
	_ =	sdelay $0x4  }
0x43: {  	v4 =	vshll.u32 v3, $0x2  }
0x44: {  	v3 =	vand.u32 $0x7, v3;
	v4 =	vand.u32 $0xFFFFFFE0, v4  }
0x45: {  	v3 =	vor.u32 v3, v4  }
0x46: {  	v4 =	vperm.xlane v3, v0;
	_ =	sdelay $0x1  }
0x47: {  	v4 =	vadd.s32 v1, v4;
	_ =	sdelay $0x1  }
0x48: {  	v3 =	vperm.xlane v3, v2;
	_ =	sdelay $0x1  }
0x49: {  	s26 =	simm.s32 $0x6080;
	v3 =	vadd.s32 v1, v3  }
0x4a: {  	[tilespmem:s26], [sflag:$0x1] =	stream.indirect_vreg.gather [hbm4b:s2+s3], $0x80, v4, vm0, $0xb8;
	[tilespmem:$0x18100] =	vst v63  }
0x4b: {  	s29 =	simm.s32 $0x6880  }
0x4c: {  	[tilespmem:s29], [sflag:$0x1] =	stream.indirect_vreg.gather [hbm4b:s6+s3], $0x80, v4, vm0, $0xb8;
	[tilespmem:$0x18100] =	vst v63  }
0x4d: {  	s30 =	simm.s32 $0x7080  }
0x4e: {  	[tilespmem:s30], [sflag:$0x1] =	stream.indirect_vreg.gather [hbm4b:s2+s3], $0x80, v3, vm0, $0xb8;
	[tilespmem:$0x18100] =	vst v63  }
0x4f: {  	s26 =	simm.s32 $0x7880  }
0x50: {  	[tilespmem:s26], [sflag:$0x1] =	stream.indirect_vreg.gather [hbm4b:s6+s3], $0x80, v3, vm0, $0xb8;
	[tilespmem:$0x18100] =	vst v63  }
0x51: {  	v3 =	vld [tilespmem:$0x40];
	_ =	sdelay $0x4  }
0x52: {  	v4 =	vshll.u32 v3, $0x2  }
0x53: {  	v3 =	vand.u32 $0x7, v3;
	v4 =	vand.u32 $0xFFFFFFE0, v4  }
0x54: {  	v3 =	vor.u32 v3, v4  }
0x55: {  	v4 =	vperm.xlane v3, v0;
	_ =	sdelay $0x1  }
0x56: {  	v4 =	vadd.s32 v1, v4;
	_ =	sdelay $0x1  }
0x57: {  	v3 =	vperm.xlane v3, v2;
	_ =	sdelay $0x1  }
0x58: {  	s29 =	simm.s32 $0x8080;
	v3 =	vadd.s32 v1, v3  }
0x59: {  	[tilespmem:s29], [sflag:$0x1] =	stream.indirect_vreg.gather [hbm4b:s2+s3], $0x80, v4, vm0, $0xb8;
	[tilespmem:$0x18100] =	vst v63  }
0x5a: {  	s30 =	simm.s32 $0x8880  }
0x5b: {  	[tilespmem:s30], [sflag:$0x1] =	stream.indirect_vreg.gather [hbm4b:s6+s3], $0x80, v4, vm0, $0xb8;
	[tilespmem:$0x18100] =	vst v63  }
0x5c: {  	s26 =	simm.s32 $0x9080  }
0x5d: {  	[tilespmem:s26], [sflag:$0x1] =	stream.indirect_vreg.gather [hbm4b:s2+s3], $0x80, v3, vm0, $0xb8;
	[tilespmem:$0x18100] =	vst v63  }
0x5e: {  	_ = 	snop  }
0x5f: {  	[tilespmem:s31], [sflag:$0x1] =	stream.indirect_vreg.gather [hbm4b:s6+s3], $0x80, v3, vm0, $0xb8;
	[tilespmem:$0x18100] =	vst v63  }
0x60: {  	v3 =	vld [tilespmem:$0x50];
	_ =	sdelay $0x4  }
0x61: {  	v4 =	vshll.u32 v3, $0x2  }
0x62: {  	v3 =	vand.u32 $0x7, v3;
	v4 =	vand.u32 $0xFFFFFFE0, v4  }
0x63: {  	v3 =	vor.u32 v3, v4  }
0x64: {  	v4 =	vperm.xlane v3, v0;
	_ =	sdelay $0x1  }
0x65: {  	v4 =	vadd.s32 v1, v4;
	_ =	sdelay $0x1  }
0x66: {  	v3 =	vperm.xlane v3, v2;
	_ =	sdelay $0x1  }
0x67: {  	v3 =	vadd.s32 v1, v3  }
0x68: {  	[tilespmem:s0], [sflag:$0x1] =	stream.indirect_vreg.gather [hbm4b:s2+s3], $0x80, v4, vm0, $0xb8;
	[tilespmem:$0x18100] =	vst v63  }
0x69: {  	_ = 	snop  }
0x6a: {  	[tilespmem:s1], [sflag:$0x1] =	stream.indirect_vreg.gather [hbm4b:s6+s3], $0x80, v4, vm0, $0xb8;
	[tilespmem:$0x18100] =	vst v63  }
0x6b: {  	_ = 	snop  }
0x6c: {  	[tilespmem:s11], [sflag:$0x1] =	stream.indirect_vreg.gather [hbm4b:s2+s3], $0x80, v3, vm0, $0xb8;
	[tilespmem:$0x18100] =	vst v63  }
0x6d: {  	_ = 	snop  }
0x6e: {  	[tilespmem:s12], [sflag:$0x1] =	stream.indirect_vreg.gather [hbm4b:s6+s3], $0x80, v3, vm0, $0xb8;
	[tilespmem:$0x18100] =	vst v63  }
0x6f: {  	v3 =	vld [tilespmem:$0x60];
	_ =	sdelay $0x4  }
0x70: {  	v4 =	vshll.u32 v3, $0x2  }
0x71: {  	v3 =	vand.u32 $0x7, v3;
	v4 =	vand.u32 $0xFFFFFFE0, v4  }
0x72: {  	v3 =	vor.u32 v3, v4  }
0x73: {  	v4 =	vperm.xlane v3, v0;
	_ =	sdelay $0x1  }
0x74: {  	v4 =	vadd.s32 v1, v4;
	_ =	sdelay $0x1  }
0x75: {  	v3 =	vperm.xlane v3, v2;
	_ =	sdelay $0x1  }
0x76: {  	v3 =	vadd.s32 v1, v3  }
0x77: {  	[tilespmem:s13], [sflag:$0x1] =	stream.indirect_vreg.gather [hbm4b:s2+s3], $0x80, v4, vm0, $0xb8;
	[tilespmem:$0x18100] =	vst v63  }
0x78: {  	_ = 	snop  }
0x79: {  	[tilespmem:s14], [sflag:$0x1] =	stream.indirect_vreg.gather [hbm4b:s6+s3], $0x80, v4, vm0, $0xb8;
	[tilespmem:$0x18100] =	vst v63  }
0x7a: {  	_ = 	snop  }
0x7b: {  	[tilespmem:s15], [sflag:$0x1] =	stream.indirect_vreg.gather [hbm4b:s2+s3], $0x80, v3, vm0, $0xb8;
	[tilespmem:$0x18100] =	vst v63  }
0x7c: {  	_ = 	snop  }
0x7d: {  	[tilespmem:s16], [sflag:$0x1] =	stream.indirect_vreg.gather [hbm4b:s6+s3], $0x80, v3, vm0, $0xb8;
	[tilespmem:$0x18100] =	vst v63  }
0x7e: {  	v3 =	vld [tilespmem:$0x70];
	_ =	sdelay $0x4  }
0x7f: {  	v4 =	vshll.u32 v3, $0x2  }
0x80: {  	v3 =	vand.u32 $0x7, v3;
	v4 =	vand.u32 $0xFFFFFFE0, v4  }
0x81: {  	v3 =	vor.u32 v3, v4  }
0x82: {  	v4 =	vperm.xlane v3, v0;
	_ =	sdelay $0x1  }
0x83: {  	v4 =	vadd.s32 v1, v4;
	_ =	sdelay $0x1  }
0x84: {  	v3 =	vperm.xlane v3, v2;
	_ =	sdelay $0x1  }
0x85: {  	v3 =	vadd.s32 v1, v3  }
0x86: {  	[tilespmem:s17], [sflag:$0x1] =	stream.indirect_vreg.gather [hbm4b:s2+s3], $0x80, v4, vm0, $0xb8;
	[tilespmem:$0x18100] =	vst v63  }
0x87: {  	_ = 	snop  }
0x88: {  	[tilespmem:s18], [sflag:$0x1] =	stream.indirect_vreg.gather [hbm4b:s6+s3], $0x80, v4, vm0, $0xb8;
	[tilespmem:$0x18100] =	vst v63  }
0x89: {  	_ = 	snop  }
0x8a: {  	[tilespmem:s19], [sflag:$0x1] =	stream.indirect_vreg.gather [hbm4b:s2+s3], $0x80, v3, vm0, $0xb8;
	[tilespmem:$0x18100] =	vst v63  }
0x8b: {  	_ = 	snop  }
0x8c: {  	[tilespmem:s20], [sflag:$0x1] =	stream.indirect_vreg.gather [hbm4b:s6+s3], $0x80, v3, vm0, $0xb8;
	[tilespmem:$0x18100] =	vst v63  }
0x8d: {  	_ = 	snop  }
0x8e: {  	[tilespmem:s21], [sflag:$0x2] =	stream.linear.gather [hbm4b:s4+s3], $0x8000, $0x38;
	[tilespmem:$0x18100] =	vst v63  }
0x8f: {  	_ =	swait.ge [sflag:s10], $0x8000  }
0x90: {  	[sflag:s10] =	ssyncset.done $0x0  }
0x91: {  	[sflag:s10] =	ssyncadd.s32 $0xFFFF8000  }
0x92: {  	_ =	swait.ge [sflag:s22], $0x10000  }
0x93: {  	s29 =	sand.u32 $0x7000, s3;
	s26 =	sand.u32 $0x380, s3;
	[sflag:s22] =	ssyncset.done $0x0  }
0x94: {  	s28 =	sor.u32 s26, s29;
	[sflag:s22] =	ssyncadd.s32 $0xFFFF0000  }
0x95: {  	v3 =	vld [tilespmem:s28+$0x10080]  }
0x96: {  	v4 =	vld [tilespmem:s28+$0x80]  }
0x97: {  	v5 =	vld [tilespmem:s28+$0x10090]  }
0x98: {  	v6 =	vld [tilespmem:s28+$0x90]  }
0x99: {  	v7 =	vld [tilespmem:s28+$0x100A0]  }
0x9a: {  	v8 =	vld [tilespmem:s28+$0xA0]  }
0x9b: {  	v9 =	vld [tilespmem:s28+$0x100B0];
	v3 =	vsub.f32 v3, v4  }
0x9c: {  	v4 =	vld [tilespmem:s28+$0xB0]  }
0x9d: {  	v10 =	vld [tilespmem:s28+$0x100C0];
	v5 =	vsub.f32 v5, v6;
	v3 =	vmul.f32 v3, v3  }
0x9e: {  	v11 =	vimm.f32 $0.0e+00;
	v6 =	vld [tilespmem:s28+$0xC0]  }
0x9f: {  	v12 =	vld [tilespmem:s28+$0x100D0];
	v7 =	vsub.f32 v7, v8;
	v5 =	vmul.f32 v5, v5;
	v3 =	vadd.f32 v3, v11  }
0xa0: {  	v8 =	vld [tilespmem:s28+$0xD0]  }
0xa1: {  	v11 =	vld [tilespmem:s28+$0x100E0];
	v4 =	vsub.f32 v9, v4;
	v3 =	vadd.f32 v5, v3;
	v5 =	vmul.f32 v7, v7  }
0xa2: {  	v7 =	vld [tilespmem:s28+$0xE0]  }
0xa3: {  	v9 =	vld [tilespmem:s28+$0x100F0];
	v4 =	vmul.f32 v4, v4;
	v3 =	vadd.f32 v5, v3;
	v5 =	vsub.f32 v10, v6  }
0xa4: {  	v6 =	vld [tilespmem:s28+$0xF0]  }
0xa5: {  	v10 =	vld [tilespmem:s28+$0x10480];
	v3 =	vadd.f32 v4, v3;
	v4 =	vmul.f32 v5, v5;
	v5 =	vsub.f32 v12, v8  }
0xa6: {  	v8 =	vld [tilespmem:s28+$0x480]  }
0xa7: {  	v58 =	vld [tilespmem:s28+$0x10490];
	v3 =	vadd.f32 v4, v3;
	v4 =	vmul.f32 v5, v5;
	v5 =	vsub.f32 v11, v7  }
0xa8: {  	v7 =	vld [tilespmem:s28+$0x490]  }
0xa9: {  	v11 =	vld [tilespmem:s28+$0x104A0];
	v3 =	vadd.f32 v4, v3;
	v4 =	vmul.f32 v5, v5;
	v5 =	vsub.f32 v9, v6  }
0xaa: {  	v6 =	vld [tilespmem:s28+$0x4A0]  }
0xab: {  	v9 =	vld [tilespmem:s28+$0x104B0];
	v3 =	vadd.f32 v4, v3;
	v4 =	vmul.f32 v5, v5;
	v5 =	vsub.f32 v10, v8  }
0xac: {  	v8 =	vld [tilespmem:s28+$0x4B0]  }
0xad: {  	v10 =	vld [tilespmem:s28+$0x104C0];
	v3 =	vadd.f32 v4, v3;
	v4 =	vmul.f32 v5, v5;
	v5 =	vsub.f32 v58, v7  }
0xae: {  	v7 =	vld [tilespmem:s28+$0x4C0]  }
0xaf: {  	v59 =	vld [tilespmem:s28+$0x104D0];
	v3 =	vadd.f32 v4, v3;
	v4 =	vmul.f32 v5, v5;
	v5 =	vsub.f32 v11, v6  }
0xb0: {  	v6 =	vld [tilespmem:s28+$0x4D0]  }
0xb1: {  	v11 =	vld [tilespmem:s28+$0x104E0];
	v3 =	vadd.f32 v4, v3;
	v4 =	vmul.f32 v5, v5;
	v5 =	vsub.f32 v9, v8  }
0xb2: {  	v8 =	vld [tilespmem:s28+$0x4E0]  }
0xb3: {  	v9 =	vld [tilespmem:s28+$0x104F0];
	v3 =	vadd.f32 v4, v3;
	v4 =	vmul.f32 v5, v5;
	v5 =	vsub.f32 v10, v7  }
0xb4: {  	v7 =	vld [tilespmem:s28+$0x4F0]  }
0xb5: {  	v10 =	vld [tilespmem:s28+$0x10880];
	v3 =	vadd.f32 v4, v3;
	v4 =	vmul.f32 v5, v5;
	v5 =	vsub.f32 v59, v6  }
0xb6: {  	v6 =	vld [tilespmem:s28+$0x880]  }
0xb7: {  	v60 =	vld [tilespmem:s28+$0x10890];
	v3 =	vadd.f32 v4, v3;
	v4 =	vmul.f32 v5, v5;
	v5 =	vsub.f32 v11, v8  }
0xb8: {  	v8 =	vld [tilespmem:s28+$0x890]  }
0xb9: {  	v11 =	vld [tilespmem:s28+$0x108A0];
	v3 =	vadd.f32 v4, v3;
	v4 =	vmul.f32 v5, v5;
	v5 =	vsub.f32 v9, v7  }
0xba: {  	v7 =	vld [tilespmem:s28+$0x8A0]  }
0xbb: {  	v9 =	vld [tilespmem:s28+$0x108B0];
	v3 =	vadd.f32 v4, v3;
	v4 =	vmul.f32 v5, v5;
	v5 =	vsub.f32 v10, v6  }
0xbc: {  	v6 =	vld [tilespmem:s28+$0x8B0]  }
0xbd: {  	v10 =	vld [tilespmem:s28+$0x108C0];
	v3 =	vadd.f32 v4, v3;
	v4 =	vmul.f32 v5, v5;
	v5 =	vsub.f32 v60, v8  }
0xbe: {  	v8 =	vld [tilespmem:s28+$0x8C0]  }
0xbf: {  	v61 =	vld [tilespmem:s28+$0x108D0];
	v3 =	vadd.f32 v4, v3;
	v4 =	vmul.f32 v5, v5;
	v5 =	vsub.f32 v11, v7  }
0xc0: {  	v7 =	vld [tilespmem:s28+$0x8D0]  }
0xc1: {  	v11 =	vld [tilespmem:s28+$0x108E0];
	v3 =	vadd.f32 v4, v3;
	v4 =	vmul.f32 v5, v5;
	v5 =	vsub.f32 v9, v6  }
0xc2: {  	v6 =	vld [tilespmem:s28+$0x8E0]  }
0xc3: {  	v9 =	vld [tilespmem:s28+$0x108F0];
	v3 =	vadd.f32 v4, v3;
	v4 =	vmul.f32 v5, v5;
	v5 =	vsub.f32 v10, v8  }
0xc4: {  	v8 =	vld [tilespmem:s28+$0x8F0]  }
0xc5: {  	v10 =	vld [tilespmem:s28+$0x10C80];
	v3 =	vadd.f32 v4, v3;
	v4 =	vmul.f32 v5, v5;
	v5 =	vsub.f32 v61, v7  }
0xc6: {  	v7 =	vld [tilespmem:s28+$0xC80]  }
0xc7: {  	v62 =	vld [tilespmem:s28+$0x10C90];
	v3 =	vadd.f32 v4, v3;
	v4 =	vmul.f32 v5, v5;
	v5 =	vsub.f32 v11, v6  }
0xc8: {  	v6 =	vld [tilespmem:s28+$0xC90]  }
0xc9: {  	v11 =	vld [tilespmem:s28+$0x10CA0];
	v3 =	vadd.f32 v4, v3;
	v4 =	vmul.f32 v5, v5;
	v5 =	vsub.f32 v9, v8  }
0xca: {  	v8 =	vld [tilespmem:s28+$0xCA0]  }
0xcb: {  	v9 =	vld [tilespmem:s28+$0x10CB0];
	v3 =	vadd.f32 v4, v3;
	v4 =	vmul.f32 v5, v5;
	v5 =	vsub.f32 v10, v7  }
0xcc: {  	v7 =	vld [tilespmem:s28+$0xCB0]  }
0xcd: {  	v13 =	vld [tilespmem:s28+$0x10CC0];
	v6 =	vsub.f32 v62, v6;
	v4 =	vadd.f32 v4, v3;
	v5 =	vmul.f32 v5, v5  }
0xce: {  	v63 =	vld [tilespmem:s28+$0xCC0]  }
0xcf: {  	v3 =	vld [tilespmem:s28+$0x10CD0];
	v6 =	vmul.f32 v6, v6;
	v8 =	vsub.f32 v11, v8;
	v10 =	vadd.f32 v5, v4  }
0xd0: {  	v5 =	vld [tilespmem:s28+$0xCD0]  }
0xd1: {  	v4 =	vld [tilespmem:s28+$0x10CE0];
	v8 =	vmul.f32 v8, v8;
	v11 =	vsub.f32 v9, v7;
	v10 =	vadd.f32 v6, v10  }
0xd2: {  	s30 =	simm.s32 $0x200;
	s26 =	simm.s32 $0x80;
	v6 =	vld [tilespmem:s28+$0xCE0]  }
0xd3: {  	s25 =	sand.u32 $0x7000, s30;
	s29 =	sand.u32 $0x380, s26;
	v7 =	vld [tilespmem:s28+$0x10CF0];
	v9 =	vadd.f32 v8, v10;
	v10 =	vmul.f32 v11, v11;
	v11 =	vsub.f32 v13, v63  }
0xd4: {  	s25 =	sor.u32 s29, s25;
	v8 =	vld [tilespmem:s28+$0xCF0];
	s28 =	simm.s32 $0x400  }
.LBB2_2:
0xd5: {  	p0 =	sne.s32 s28, $0x7E00;
	v12 =	vld [tilespmem:s25+$0x10080];
	v9 =	vadd.f32 v10, v9;
	v10 =	vmul.f32 v11, v11;
	v3 =	vsub.f32 v3, v5  }
0xd6: {  	v5 =	vld [tilespmem:s25+$0x80]  }
0xd7: {  	v11 =	vld [tilespmem:s25+$0x10090];
	v9 =	vadd.f32 v10, v9;
	v3 =	vmul.f32 v3, v3;
	v4 =	vsub.f32 v4, v6  }
0xd8: {  	v6 =	vld [tilespmem:s25+$0x90]  }
0xd9: {  	v10 =	vld [tilespmem:s25+$0x100A0];
	v3 =	vadd.f32 v3, v9;
	v4 =	vmul.f32 v4, v4;
	v7 =	vsub.f32 v7, v8  }
0xda: {  	v8 =	vld [tilespmem:s25+$0xA0]  }
0xdb: {  	v5 =	vsub.f32 v12, v5;
	v9 =	vld [tilespmem:s25+$0x100B0];
	v3 =	vadd.f32 v4, v3;
	v4 =	vmul.f32 v7, v7  }
0xdc: {  	v7 =	vld [tilespmem:s25+$0xB0]  }
0xdd: {  	v5 =	vmul.f32 v5, v5;
	v6 =	vsub.f32 v11, v6;
	v11 =	vld [tilespmem:s25+$0x100C0];
	v3 =	vadd.f32 v4, v3  }
0xde: {  	v4 =	vld [tilespmem:s25+$0xC0]  }
0xdf: {  	v3 =	vadd.f32 v5, v3;
	v5 =	vmul.f32 v6, v6;
	v6 =	vsub.f32 v10, v8;
	v8 =	vld [tilespmem:s25+$0x100D0]  }
0xe0: {  	v10 =	vld [tilespmem:s25+$0xD0]  }
0xe1: {  	v3 =	vadd.f32 v5, v3;
	v5 =	vmul.f32 v6, v6;
	v6 =	vsub.f32 v9, v7;
	v7 =	vld [tilespmem:s25+$0x100E0]  }
0xe2: {  	v9 =	vld [tilespmem:s25+$0xE0]  }
0xe3: {  	v3 =	vadd.f32 v5, v3;
	v5 =	vmul.f32 v6, v6;
	v4 =	vsub.f32 v11, v4;
	v6 =	vld [tilespmem:s25+$0x100F0]  }
0xe4: {  	v11 =	vld [tilespmem:s25+$0xF0]  }
0xe5: {  	v3 =	vadd.f32 v5, v3;
	v4 =	vmul.f32 v4, v4;
	v5 =	vsub.f32 v8, v10;
	v8 =	vld [tilespmem:s25+$0x10480]  }
0xe6: {  	v10 =	vld [tilespmem:s25+$0x480]  }
0xe7: {  	v3 =	vadd.f32 v4, v3;
	v4 =	vmul.f32 v5, v5;
	v5 =	vsub.f32 v7, v9;
	v7 =	vld [tilespmem:s25+$0x10490]  }
0xe8: {  	v9 =	vld [tilespmem:s25+$0x490]  }
0xe9: {  	v3 =	vadd.f32 v4, v3;
	v4 =	vmul.f32 v5, v5;
	v5 =	vsub.f32 v6, v11;
	v6 =	vld [tilespmem:s25+$0x104A0]  }
0xea: {  	v11 =	vld [tilespmem:s25+$0x4A0]  }
0xeb: {  	v3 =	vadd.f32 v4, v3;
	v4 =	vmul.f32 v5, v5;
	v5 =	vsub.f32 v8, v10;
	v8 =	vld [tilespmem:s25+$0x104B0]  }
0xec: {  	v10 =	vld [tilespmem:s25+$0x4B0]  }
0xed: {  	v3 =	vadd.f32 v4, v3;
	v4 =	vmul.f32 v5, v5;
	v5 =	vsub.f32 v7, v9;
	v7 =	vld [tilespmem:s25+$0x104C0]  }
0xee: {  	v9 =	vld [tilespmem:s25+$0x4C0]  }
0xef: {  	v3 =	vadd.f32 v4, v3;
	v4 =	vmul.f32 v5, v5;
	v5 =	vsub.f32 v6, v11;
	v6 =	vld [tilespmem:s25+$0x104D0]  }
0xf0: {  	v11 =	vld [tilespmem:s25+$0x4D0]  }
0xf1: {  	v3 =	vadd.f32 v4, v3;
	v4 =	vmul.f32 v5, v5;
	v5 =	vsub.f32 v8, v10;
	v8 =	vld [tilespmem:s25+$0x104E0]  }
0xf2: {  	v10 =	vld [tilespmem:s25+$0x4E0]  }
0xf3: {  	v3 =	vadd.f32 v4, v3;
	v4 =	vmul.f32 v5, v5;
	v5 =	vsub.f32 v7, v9;
	v7 =	vld [tilespmem:s25+$0x104F0]  }
0xf4: {  	v9 =	vld [tilespmem:s25+$0x4F0]  }
0xf5: {  	v3 =	vadd.f32 v4, v3;
	v4 =	vmul.f32 v5, v5;
	v5 =	vsub.f32 v6, v11;
	v6 =	vld [tilespmem:s25+$0x10880]  }
0xf6: {  	v11 =	vld [tilespmem:s25+$0x880]  }
0xf7: {  	v3 =	vadd.f32 v4, v3;
	v4 =	vmul.f32 v5, v5;
	v5 =	vsub.f32 v8, v10;
	v8 =	vld [tilespmem:s25+$0x10890]  }
0xf8: {  	v10 =	vld [tilespmem:s25+$0x890]  }
0xf9: {  	v3 =	vadd.f32 v4, v3;
	v4 =	vmul.f32 v5, v5;
	v5 =	vsub.f32 v7, v9;
	v7 =	vld [tilespmem:s25+$0x108A0]  }
0xfa: {  	v9 =	vld [tilespmem:s25+$0x8A0]  }
0xfb: {  	v3 =	vadd.f32 v4, v3;
	v4 =	vmul.f32 v5, v5;
	v5 =	vsub.f32 v6, v11;
	v6 =	vld [tilespmem:s25+$0x108B0]  }
0xfc: {  	v11 =	vld [tilespmem:s25+$0x8B0]  }
0xfd: {  	v3 =	vadd.f32 v4, v3;
	v4 =	vmul.f32 v5, v5;
	v5 =	vsub.f32 v8, v10;
	v8 =	vld [tilespmem:s25+$0x108C0]  }
0xfe: {  	v10 =	vld [tilespmem:s25+$0x8C0]  }
0xff: {  	v3 =	vadd.f32 v4, v3;
	v4 =	vmul.f32 v5, v5;
	v5 =	vsub.f32 v7, v9;
	v7 =	vld [tilespmem:s25+$0x108D0]  }
0x100: {  	v9 =	vld [tilespmem:s25+$0x8D0]  }
0x101: {  	v3 =	vadd.f32 v4, v3;
	v4 =	vmul.f32 v5, v5;
	v5 =	vsub.f32 v6, v11;
	v6 =	vld [tilespmem:s25+$0x108E0]  }
0x102: {  	v11 =	vld [tilespmem:s25+$0x8E0]  }
0x103: {  	v3 =	vadd.f32 v4, v3;
	v4 =	vmul.f32 v5, v5;
	v5 =	vsub.f32 v8, v10;
	v8 =	vld [tilespmem:s25+$0x108F0]  }
0x104: {  	v10 =	vld [tilespmem:s25+$0x8F0]  }
0x105: {  	v3 =	vadd.f32 v4, v3;
	v4 =	vmul.f32 v5, v5;
	v5 =	vsub.f32 v7, v9;
	v7 =	vld [tilespmem:s25+$0x10C80]  }
0x106: {  	v9 =	vld [tilespmem:s25+$0xC80]  }
0x107: {  	v3 =	vadd.f32 v4, v3;
	v4 =	vmul.f32 v5, v5;
	v5 =	vsub.f32 v6, v11;
	v6 =	vld [tilespmem:s25+$0x10C90]  }
0x108: {  	v11 =	vld [tilespmem:s25+$0xC90]  }
0x109: {  	v3 =	vadd.f32 v4, v3;
	v4 =	vmul.f32 v5, v5;
	v5 =	vsub.f32 v8, v10;
	v8 =	vld [tilespmem:s25+$0x10CA0]  }
0x10a: {  	v10 =	vld [tilespmem:s25+$0xCA0]  }
0x10b: {  	v3 =	vadd.f32 v4, v3;
	v4 =	vmul.f32 v5, v5;
	v5 =	vsub.f32 v7, v9;
	v7 =	vld [tilespmem:s25+$0x10CB0]  }
0x10c: {  	v9 =	vld [tilespmem:s25+$0xCB0]  }
0x10d: {  	v3 =	vadd.f32 v4, v3;
	v4 =	vmul.f32 v5, v5;
	v5 =	vsub.f32 v6, v11;
	v11 =	vld [tilespmem:s25+$0x10CC0]  }
0x10e: {  	v12 =	vld [tilespmem:s25+$0xCC0]  }
0x10f: {  	v4 =	vadd.f32 v4, v3;
	v6 =	vmul.f32 v5, v5;
	v8 =	vsub.f32 v8, v10;
	v3 =	vld [tilespmem:s25+$0x10CD0]  }
.Ltmp0:
0x110: {  	v5 =	vld [tilespmem:s25+$0xCD0];
	(pc) =	sbr.rel @p0 .LBB2_2-.Ltmp0, $4  }
0x111: {  	v10 =	vadd.f32 v6, v4;
	v8 =	vmul.f32 v8, v8;
	v7 =	vsub.f32 v7, v9;
	v4 =	vld [tilespmem:s25+$0x10CE0]  }
0x112: {  	s26 =	sadd.s32 $0x80, s26;
	v6 =	vld [tilespmem:s25+$0xCE0]  }
0x113: {  	s29 =	sand.u32 $0x7000, s28;
	s30 =	sand.u32 $0x380, s26;
	v9 =	vadd.f32 v8, v10;
	v10 =	vmul.f32 v7, v7;
	v11 =	vsub.f32 v11, v12;
	v7 =	vld [tilespmem:s25+$0x10CF0]  }
0x114: {  	s28 =	sadd.s32 $0x200, s28;
	v8 =	vld [tilespmem:s25+$0xCF0];
	s25 =	sor.u32 s30, s29  }
0x115: {  	v12 =	vld [tilespmem:s25+$0x10080]  }
0x116: {  	v13 =	vld [tilespmem:s25+$0x80]  }
0x117: {  	v14 =	vld [tilespmem:s25+$0x10090]  }
0x118: {  	v15 =	vld [tilespmem:s25+$0x90];
	v9 =	vadd.f32 v10, v9;
	v10 =	vmul.f32 v11, v11;
	v3 =	vsub.f32 v3, v5  }
0x119: {  	v16 =	vld [tilespmem:s25+$0x100A0]  }
0x11a: {  	v5 =	vld [tilespmem:s25+$0xA0];
	v9 =	vadd.f32 v10, v9;
	v3 =	vmul.f32 v3, v3;
	v4 =	vsub.f32 v4, v6  }
0x11b: {  	v11 =	vld [tilespmem:s25+$0x100B0]  }
0x11c: {  	v31 =	vld [tilespmem:s25+$0x100E0];
	v3 =	vadd.f32 v3, v9;
	v4 =	vmul.f32 v4, v4;
	v7 =	vsub.f32 v7, v8  }
0x11d: {  	v32 =	vld [tilespmem:s25+$0x100F0]  }
0x11e: {  	v34 =	vld [tilespmem:s25+$0xF0];
	v12 =	vsub.f32 v12, v13;
	v3 =	vadd.f32 v4, v3;
	v4 =	vmul.f32 v7, v7  }
0x11f: {  	v6 =	vld [tilespmem:s25+$0xB0]  }
0x120: {  	v10 =	vld [tilespmem:s25+$0x100C0];
	v14 =	vsub.f32 v14, v15;
	v12 =	vmul.f32 v12, v12;
	v3 =	vadd.f32 v4, v3  }
0x121: {  	v8 =	vld [tilespmem:s25+$0xC0]  }
0x122: {  	v9 =	vld [tilespmem:s25+$0x100D0];
	v5 =	vsub.f32 v16, v5;
	v33 =	vmul.f32 v14, v14;
	v3 =	vadd.f32 v12, v3  }
0x123: {  	v7 =	vld [tilespmem:s25+$0xD0]  }
0x124: {  	v35 =	vld [tilespmem:s25+$0x10480];
	v5 =	vmul.f32 v5, v5;
	v6 =	vsub.f32 v11, v6;
	v3 =	vadd.f32 v33, v3  }
0x125: {  	v4 =	vld [tilespmem:s25+$0xE0]  }
0x126: {  	v36 =	vld [tilespmem:s25+$0x10490];
	v3 =	vadd.f32 v5, v3;
	v5 =	vmul.f32 v6, v6;
	v6 =	vsub.f32 v10, v8  }
0x127: {  	v37 =	vld [tilespmem:s25+$0x104C0]  }
0x128: {  	v38 =	vld [tilespmem:s25+$0x4C0];
	v3 =	vadd.f32 v5, v3;
	v5 =	vmul.f32 v6, v6;
	v6 =	vsub.f32 v9, v7  }
0x129: {  	v11 =	vld [tilespmem:s25+$0x480]  }
0x12a: {  	v39 =	vld [tilespmem:s25+$0x104D0];
	v4 =	vsub.f32 v31, v4;
	v3 =	vadd.f32 v5, v3;
	v5 =	vmul.f32 v6, v6  }
0x12b: {  	v8 =	vld [tilespmem:s25+$0x490]  }
0x12c: {  	v10 =	vld [tilespmem:s25+$0x104A0];
	v4 =	vmul.f32 v4, v4;
	v3 =	vadd.f32 v5, v3;
	v5 =	vsub.f32 v32, v34  }
0x12d: {  	v7 =	vld [tilespmem:s25+$0x4A0]  }
0x12e: {  	v9 =	vld [tilespmem:s25+$0x104B0];
	v3 =	vadd.f32 v4, v3;
	v4 =	vmul.f32 v5, v5;
	v5 =	vsub.f32 v35, v11  }
0x12f: {  	v6 =	vld [tilespmem:s25+$0x4B0]  }
0x130: {  	v40 =	vld [tilespmem:s25+$0x104E0];
	v3 =	vadd.f32 v4, v3;
	v4 =	vmul.f32 v5, v5;
	v5 =	vsub.f32 v36, v8  }
0x131: {  	v41 =	vld [tilespmem:s25+$0x104F0]  }
0x132: {  	v42 =	vld [tilespmem:s25+$0x890];
	v3 =	vadd.f32 v4, v3;
	v4 =	vmul.f32 v5, v5;
	v5 =	vsub.f32 v10, v7  }
0x133: {  	v11 =	vld [tilespmem:s25+$0x4D0]  }
0x134: {  	v43 =	vld [tilespmem:s25+$0x108A0];
	v3 =	vadd.f32 v4, v3;
	v4 =	vmul.f32 v5, v5;
	v5 =	vsub.f32 v9, v6  }
0x135: {  	v8 =	vld [tilespmem:s25+$0x4E0]  }
0x136: {  	v44 =	vld [tilespmem:s25+$0x108B0];
	v3 =	vadd.f32 v4, v3;
	v4 =	vmul.f32 v5, v5;
	v5 =	vsub.f32 v37, v38  }
0x137: {  	v7 =	vld [tilespmem:s25+$0x4F0]  }
0x138: {  	v10 =	vld [tilespmem:s25+$0x10880];
	v3 =	vadd.f32 v4, v3;
	v4 =	vmul.f32 v5, v5;
	v5 =	vsub.f32 v39, v11  }
0x139: {  	v6 =	vld [tilespmem:s25+$0x880]  }
0x13a: {  	v45 =	vld [tilespmem:s25+$0x108C0];
	v3 =	vadd.f32 v4, v3;
	v4 =	vmul.f32 v5, v5;
	v5 =	vsub.f32 v40, v8  }
0x13b: {  	v9 =	vld [tilespmem:s25+$0x10890]  }
0x13c: {  	v46 =	vld [tilespmem:s25+$0x108D0];
	v3 =	vadd.f32 v4, v3;
	v4 =	vmul.f32 v5, v5;
	v5 =	vsub.f32 v41, v7  }
0x13d: {  	v11 =	vld [tilespmem:s25+$0x8A0]  }
0x13e: {  	v47 =	vld [tilespmem:s25+$0x108F0];
	v3 =	vadd.f32 v4, v3;
	v4 =	vmul.f32 v5, v5;
	v5 =	vsub.f32 v10, v6  }
0x13f: {  	v8 =	vld [tilespmem:s25+$0x8B0]  }
0x140: {  	v48 =	vld [tilespmem:s25+$0x10C80];
	v3 =	vadd.f32 v4, v3;
	v4 =	vmul.f32 v5, v5;
	v5 =	vsub.f32 v9, v42  }
0x141: {  	v7 =	vld [tilespmem:s25+$0x8C0]  }
0x142: {  	v49 =	vld [tilespmem:s25+$0x10C90];
	v3 =	vadd.f32 v4, v3;
	v4 =	vmul.f32 v5, v5;
	v5 =	vsub.f32 v43, v11  }
0x143: {  	v6 =	vld [tilespmem:s25+$0x8D0]  }
0x144: {  	v10 =	vld [tilespmem:s25+$0x108E0];
	v3 =	vadd.f32 v4, v3;
	v4 =	vmul.f32 v5, v5;
	v5 =	vsub.f32 v44, v8  }
0x145: {  	v9 =	vld [tilespmem:s25+$0x8E0]  }
0x146: {  	v50 =	vld [tilespmem:s25+$0x10CA0];
	v3 =	vadd.f32 v4, v3;
	v4 =	vmul.f32 v5, v5;
	v5 =	vsub.f32 v45, v7  }
0x147: {  	v11 =	vld [tilespmem:s25+$0x8F0]  }
0x148: {  	v51 =	vld [tilespmem:s25+$0x10CB0];
	v3 =	vadd.f32 v4, v3;
	v4 =	vmul.f32 v5, v5;
	v5 =	vsub.f32 v46, v6  }
0x149: {  	v8 =	vld [tilespmem:s25+$0xC80]  }
0x14a: {  	v52 =	vld [tilespmem:s25+$0x10CD0];
	v3 =	vadd.f32 v4, v3;
	v4 =	vmul.f32 v5, v5;
	v5 =	vsub.f32 v10, v9  }
0x14b: {  	v7 =	vld [tilespmem:s25+$0xC90]  }
0x14c: {  	v53 =	vld [tilespmem:s25+$0x10CE0];
	v3 =	vadd.f32 v4, v3;
	v4 =	vmul.f32 v5, v5;
	v5 =	vsub.f32 v47, v11  }
0x14d: {  	v6 =	vld [tilespmem:s25+$0xCA0]  }
0x14e: {  	v54 =	vld [tilespmem:s25+$0x10CF0];
	v3 =	vadd.f32 v4, v3;
	v4 =	vmul.f32 v5, v5;
	v5 =	vsub.f32 v48, v8  }
0x14f: {  	v9 =	vld [tilespmem:s25+$0xCB0]  }
0x150: {  	v10 =	vld [tilespmem:s25+$0x10CC0];
	v3 =	vadd.f32 v4, v3;
	v4 =	vmul.f32 v5, v5;
	v5 =	vsub.f32 v49, v7  }
0x151: {  	v11 =	vld [tilespmem:s25+$0xCC0]  }
0x152: {  	v8 =	vld [tilespmem:s25+$0xCD0];
	v3 =	vadd.f32 v4, v3;
	v4 =	vmul.f32 v5, v5;
	v5 =	vsub.f32 v50, v6  }
0x153: {  	s29 =	simm.s32 $0x0;
	v7 =	vld [tilespmem:s25+$0xCE0]  }
0x154: {  	v6 =	vld [tilespmem:s25+$0xCF0];
	[tilespmem:s21], [sflag:$0x2] =	stream.linear.gather [hbm4b:s7+s29], $0x8000, $0x38;
	v3 =	vadd.f32 v4, v3;
	v4 =	vsub.f32 v51, v9;
	v5 =	vmul.f32 v5, v5  }
0x155: {  	_ =	swait.ge [sflag:s10], $0x8000  }
0x156: {  	s26 =	sand.u32 $0x7000, s29;
	s25 =	sand.u32 $0x380, s29;
	[sflag:s10] =	ssyncset.done $0x0;
	v3 =	vadd.f32 v5, v3;
	v4 =	vmul.f32 v4, v4;
	v5 =	vsub.f32 v10, v11  }
0x157: {  	s29 =	sor.u32 s25, s26;
	[sflag:s10] =	ssyncadd.s32 $0xFFFF8000  }
0x158: {  	v9 =	vld [tilespmem:s29+$0x10080];
	v3 =	vadd.f32 v4, v3;
	v4 =	vmul.f32 v5, v5;
	v5 =	vsub.f32 v52, v8  }
0x159: {  	v8 =	vld [tilespmem:s29+$0x8080]  }
0x15a: {  	v10 =	vld [tilespmem:s29+$0x10090];
	v3 =	vadd.f32 v4, v3;
	v4 =	vmul.f32 v5, v5;
	v5 =	vsub.f32 v53, v7  }
0x15b: {  	v7 =	vld [tilespmem:s29+$0x8090]  }
0x15c: {  	v11 =	vld [tilespmem:s29+$0x100A0];
	v3 =	vadd.f32 v4, v3;
	v4 =	vmul.f32 v5, v5;
	v5 =	vsub.f32 v54, v6  }
0x15d: {  	v6 =	vld [tilespmem:s29+$0x80A0]  }
0x15e: {  	v55 =	vld [tilespmem:s29+$0x100B0];
	v3 =	vadd.f32 v4, v3;
	v4 =	vmul.f32 v5, v5;
	v5 =	vsub.f32 v9, v8  }
0x15f: {  	v8 =	vld [tilespmem:s29+$0x80B0]  }
0x160: {  	v9 =	vld [tilespmem:s29+$0x100C0];
	v3 =	vadd.f32 v4, v3;
	v4 =	vmul.f32 v5, v5;
	v5 =	vsub.f32 v10, v7  }
0x161: {  	v7 =	vld [tilespmem:s29+$0x80C0]  }
0x162: {  	v10 =	vld [tilespmem:s29+$0x100D0];
	v3 =	vadd.f32 v4, v3;
	v4 =	vmul.f32 v5, v5;
	v5 =	vsub.f32 v11, v6  }
0x163: {  	v6 =	vld [tilespmem:s29+$0x80D0]  }
0x164: {  	v11 =	vld [tilespmem:s29+$0x100E0];
	v3 =	vadd.f32 v4, v3;
	v4 =	vmul.f32 v5, v5;
	v5 =	vsub.f32 v55, v8  }
0x165: {  	v8 =	vld [tilespmem:s29+$0x80E0]  }
0x166: {  	v56 =	vld [tilespmem:s29+$0x100F0];
	v3 =	vadd.f32 v4, v3;
	v4 =	vmul.f32 v5, v5;
	v5 =	vsub.f32 v9, v7  }
0x167: {  	v7 =	vld [tilespmem:s29+$0x80F0]  }
0x168: {  	v9 =	vld [tilespmem:s29+$0x10480];
	v3 =	vadd.f32 v4, v3;
	v4 =	vmul.f32 v5, v5;
	v5 =	vsub.f32 v10, v6  }
0x169: {  	v6 =	vld [tilespmem:s29+$0x8480]  }
0x16a: {  	v10 =	vld [tilespmem:s29+$0x10490];
	v3 =	vadd.f32 v4, v3;
	v4 =	vmul.f32 v5, v5;
	v5 =	vsub.f32 v11, v8  }
0x16b: {  	v8 =	vld [tilespmem:s29+$0x8490]  }
0x16c: {  	v11 =	vld [tilespmem:s29+$0x104A0];
	v3 =	vadd.f32 v4, v3;
	v4 =	vmul.f32 v5, v5;
	v5 =	vsub.f32 v56, v7  }
0x16d: {  	v7 =	vld [tilespmem:s29+$0x84A0]  }
0x16e: {  	v57 =	vld [tilespmem:s29+$0x104B0];
	v3 =	vadd.f32 v4, v3;
	v4 =	vmul.f32 v5, v5;
	v5 =	vsub.f32 v9, v6  }
0x16f: {  	v6 =	vld [tilespmem:s29+$0x84B0]  }
0x170: {  	v9 =	vld [tilespmem:s29+$0x104C0];
	v3 =	vadd.f32 v4, v3;
	v4 =	vmul.f32 v5, v5;
	v5 =	vsub.f32 v10, v8  }
0x171: {  	v8 =	vld [tilespmem:s29+$0x84C0]  }
0x172: {  	v10 =	vld [tilespmem:s29+$0x104D0];
	v3 =	vadd.f32 v4, v3;
	v4 =	vmul.f32 v5, v5;
	v5 =	vsub.f32 v11, v7  }
0x173: {  	v7 =	vld [tilespmem:s29+$0x84D0]  }
0x174: {  	v11 =	vld [tilespmem:s29+$0x104E0];
	v3 =	vadd.f32 v4, v3;
	v4 =	vmul.f32 v5, v5;
	v5 =	vsub.f32 v57, v6  }
0x175: {  	v6 =	vld [tilespmem:s29+$0x84E0]  }
0x176: {  	v58 =	vld [tilespmem:s29+$0x104F0];
	v3 =	vadd.f32 v4, v3;
	v4 =	vmul.f32 v5, v5;
	v5 =	vsub.f32 v9, v8  }
0x177: {  	v8 =	vld [tilespmem:s29+$0x84F0]  }
0x178: {  	v9 =	vld [tilespmem:s29+$0x10880];
	v3 =	vadd.f32 v4, v3;
	v4 =	vmul.f32 v5, v5;
	v5 =	vsub.f32 v10, v7  }
0x179: {  	v7 =	vld [tilespmem:s29+$0x8880]  }
0x17a: {  	v10 =	vld [tilespmem:s29+$0x10890];
	v3 =	vadd.f32 v4, v3;
	v4 =	vmul.f32 v5, v5;
	v5 =	vsub.f32 v11, v6  }
0x17b: {  	v6 =	vld [tilespmem:s29+$0x8890]  }
0x17c: {  	v11 =	vld [tilespmem:s29+$0x108A0];
	v3 =	vadd.f32 v4, v3;
	v4 =	vmul.f32 v5, v5;
	v5 =	vsub.f32 v58, v8  }
0x17d: {  	v8 =	vld [tilespmem:s29+$0x88A0]  }
0x17e: {  	v59 =	vld [tilespmem:s29+$0x108B0];
	v3 =	vadd.f32 v4, v3;
	v4 =	vmul.f32 v5, v5;
	v5 =	vsub.f32 v9, v7  }
0x17f: {  	v7 =	vld [tilespmem:s29+$0x88B0]  }
0x180: {  	v9 =	vld [tilespmem:s29+$0x108C0];
	v3 =	vadd.f32 v4, v3;
	v4 =	vmul.f32 v5, v5;
	v5 =	vsub.f32 v10, v6  }
0x181: {  	v6 =	vld [tilespmem:s29+$0x88C0]  }
0x182: {  	v10 =	vld [tilespmem:s29+$0x108D0];
	v3 =	vadd.f32 v4, v3;
	v4 =	vmul.f32 v5, v5;
	v5 =	vsub.f32 v11, v8  }
0x183: {  	v8 =	vld [tilespmem:s29+$0x88D0]  }
0x184: {  	v11 =	vld [tilespmem:s29+$0x108E0];
	v3 =	vadd.f32 v4, v3;
	v4 =	vmul.f32 v5, v5;
	v5 =	vsub.f32 v59, v7  }
0x185: {  	v7 =	vld [tilespmem:s29+$0x88E0]  }
0x186: {  	v60 =	vld [tilespmem:s29+$0x108F0];
	v3 =	vadd.f32 v4, v3;
	v4 =	vmul.f32 v5, v5;
	v5 =	vsub.f32 v9, v6  }
0x187: {  	v6 =	vld [tilespmem:s29+$0x88F0]  }
0x188: {  	v9 =	vld [tilespmem:s29+$0x10C80];
	v3 =	vadd.f32 v4, v3;
	v4 =	vmul.f32 v5, v5;
	v5 =	vsub.f32 v10, v8  }
0x189: {  	v8 =	vld [tilespmem:s29+$0x8C80]  }
0x18a: {  	v10 =	vld [tilespmem:s29+$0x10C90];
	v3 =	vadd.f32 v4, v3;
	v4 =	vmul.f32 v5, v5;
	v5 =	vsub.f32 v11, v7  }
0x18b: {  	v7 =	vld [tilespmem:s29+$0x8C90]  }
0x18c: {  	v11 =	vld [tilespmem:s29+$0x10CA0];
	v3 =	vadd.f32 v4, v3;
	v4 =	vmul.f32 v5, v5;
	v5 =	vsub.f32 v60, v6  }
0x18d: {  	v6 =	vld [tilespmem:s29+$0x8CA0]  }
0x18e: {  	v61 =	vld [tilespmem:s29+$0x10CB0];
	v3 =	vadd.f32 v4, v3;
	v4 =	vmul.f32 v5, v5;
	v5 =	vsub.f32 v9, v8  }
0x18f: {  	v8 =	vld [tilespmem:s29+$0x8CB0]  }
0x190: {  	v62 =	vld [tilespmem:s29+$0x10CC0];
	v7 =	vsub.f32 v10, v7;
	v4 =	vadd.f32 v4, v3;
	v5 =	vmul.f32 v5, v5  }
0x191: {  	v63 =	vld [tilespmem:s29+$0x8CC0]  }
0x192: {  	v3 =	vld [tilespmem:s29+$0x10CD0];
	v7 =	vmul.f32 v7, v7;
	v6 =	vsub.f32 v11, v6;
	v9 =	vadd.f32 v5, v4  }
0x193: {  	v5 =	vld [tilespmem:s29+$0x8CD0]  }
0x194: {  	v4 =	vld [tilespmem:s29+$0x10CE0];
	v10 =	vmul.f32 v6, v6;
	v8 =	vsub.f32 v61, v8;
	v9 =	vadd.f32 v7, v9  }
0x195: {  	s30 =	simm.s32 $0x200;
	s26 =	simm.s32 $0x80;
	v6 =	vld [tilespmem:s29+$0x8CE0]  }
0x196: {  	s25 =	sand.u32 $0x7000, s30;
	s28 =	sand.u32 $0x380, s26;
	v11 =	vsub.f32 v62, v63;
	v7 =	vld [tilespmem:s29+$0x10CF0];
	v9 =	vadd.f32 v10, v9;
	v10 =	vmul.f32 v8, v8  }
0x197: {  	s25 =	sor.u32 s28, s25;
	s28 =	simm.s32 $0x400;
	v8 =	vld [tilespmem:s29+$0x8CF0]  }
.LBB2_4:
0x198: {  	p0 =	sne.s32 s28, $0x7E00;
	v12 =	vld [tilespmem:s25+$0x10080];
	v9 =	vadd.f32 v10, v9;
	v10 =	vmul.f32 v11, v11;
	v3 =	vsub.f32 v3, v5  }
0x199: {  	v5 =	vld [tilespmem:s25+$0x8080]  }
0x19a: {  	v11 =	vld [tilespmem:s25+$0x10090];
	v9 =	vadd.f32 v10, v9;
	v3 =	vmul.f32 v3, v3;
	v4 =	vsub.f32 v4, v6  }
0x19b: {  	v6 =	vld [tilespmem:s25+$0x8090]  }
0x19c: {  	v10 =	vld [tilespmem:s25+$0x100A0];
	v3 =	vadd.f32 v3, v9;
	v4 =	vmul.f32 v4, v4;
	v7 =	vsub.f32 v7, v8  }
0x19d: {  	v8 =	vld [tilespmem:s25+$0x80A0]  }
0x19e: {  	v5 =	vsub.f32 v12, v5;
	v9 =	vld [tilespmem:s25+$0x100B0];
	v3 =	vadd.f32 v4, v3;
	v4 =	vmul.f32 v7, v7  }
0x19f: {  	v7 =	vld [tilespmem:s25+$0x80B0]  }
0x1a0: {  	v5 =	vmul.f32 v5, v5;
	v6 =	vsub.f32 v11, v6;
	v11 =	vld [tilespmem:s25+$0x100C0];
	v3 =	vadd.f32 v4, v3  }
0x1a1: {  	v4 =	vld [tilespmem:s25+$0x80C0]  }
0x1a2: {  	v3 =	vadd.f32 v5, v3;
	v5 =	vmul.f32 v6, v6;
	v6 =	vsub.f32 v10, v8;
	v8 =	vld [tilespmem:s25+$0x100D0]  }
0x1a3: {  	v10 =	vld [tilespmem:s25+$0x80D0]  }
0x1a4: {  	v3 =	vadd.f32 v5, v3;
	v5 =	vmul.f32 v6, v6;
	v6 =	vsub.f32 v9, v7;
	v7 =	vld [tilespmem:s25+$0x100E0]  }
0x1a5: {  	v9 =	vld [tilespmem:s25+$0x80E0]  }
0x1a6: {  	v3 =	vadd.f32 v5, v3;
	v5 =	vmul.f32 v6, v6;
	v4 =	vsub.f32 v11, v4;
	v6 =	vld [tilespmem:s25+$0x100F0]  }
0x1a7: {  	v11 =	vld [tilespmem:s25+$0x80F0]  }
0x1a8: {  	v3 =	vadd.f32 v5, v3;
	v4 =	vmul.f32 v4, v4;
	v5 =	vsub.f32 v8, v10;
	v8 =	vld [tilespmem:s25+$0x10480]  }
0x1a9: {  	v10 =	vld [tilespmem:s25+$0x8480]  }
0x1aa: {  	v3 =	vadd.f32 v4, v3;
	v4 =	vmul.f32 v5, v5;
	v5 =	vsub.f32 v7, v9;
	v7 =	vld [tilespmem:s25+$0x10490]  }
0x1ab: {  	v9 =	vld [tilespmem:s25+$0x8490]  }
0x1ac: {  	v3 =	vadd.f32 v4, v3;
	v4 =	vmul.f32 v5, v5;
	v5 =	vsub.f32 v6, v11;
	v6 =	vld [tilespmem:s25+$0x104A0]  }
0x1ad: {  	v11 =	vld [tilespmem:s25+$0x84A0]  }
0x1ae: {  	v3 =	vadd.f32 v4, v3;
	v4 =	vmul.f32 v5, v5;
	v5 =	vsub.f32 v8, v10;
	v8 =	vld [tilespmem:s25+$0x104B0]  }
0x1af: {  	v10 =	vld [tilespmem:s25+$0x84B0]  }
0x1b0: {  	v3 =	vadd.f32 v4, v3;
	v4 =	vmul.f32 v5, v5;
	v5 =	vsub.f32 v7, v9;
	v7 =	vld [tilespmem:s25+$0x104C0]  }
0x1b1: {  	v9 =	vld [tilespmem:s25+$0x84C0]  }
0x1b2: {  	v3 =	vadd.f32 v4, v3;
	v4 =	vmul.f32 v5, v5;
	v5 =	vsub.f32 v6, v11;
	v6 =	vld [tilespmem:s25+$0x104D0]  }
0x1b3: {  	v11 =	vld [tilespmem:s25+$0x84D0]  }
0x1b4: {  	v3 =	vadd.f32 v4, v3;
	v4 =	vmul.f32 v5, v5;
	v5 =	vsub.f32 v8, v10;
	v8 =	vld [tilespmem:s25+$0x104E0]  }
0x1b5: {  	v10 =	vld [tilespmem:s25+$0x84E0]  }
0x1b6: {  	v3 =	vadd.f32 v4, v3;
	v4 =	vmul.f32 v5, v5;
	v5 =	vsub.f32 v7, v9;
	v7 =	vld [tilespmem:s25+$0x104F0]  }
0x1b7: {  	v9 =	vld [tilespmem:s25+$0x84F0]  }
0x1b8: {  	v3 =	vadd.f32 v4, v3;
	v4 =	vmul.f32 v5, v5;
	v5 =	vsub.f32 v6, v11;
	v6 =	vld [tilespmem:s25+$0x10880]  }
0x1b9: {  	v11 =	vld [tilespmem:s25+$0x8880]  }
0x1ba: {  	v3 =	vadd.f32 v4, v3;
	v4 =	vmul.f32 v5, v5;
	v5 =	vsub.f32 v8, v10;
	v8 =	vld [tilespmem:s25+$0x10890]  }
0x1bb: {  	v10 =	vld [tilespmem:s25+$0x8890]  }
0x1bc: {  	v3 =	vadd.f32 v4, v3;
	v4 =	vmul.f32 v5, v5;
	v5 =	vsub.f32 v7, v9;
	v7 =	vld [tilespmem:s25+$0x108A0]  }
0x1bd: {  	v9 =	vld [tilespmem:s25+$0x88A0]  }
0x1be: {  	v3 =	vadd.f32 v4, v3;
	v4 =	vmul.f32 v5, v5;
	v5 =	vsub.f32 v6, v11;
	v6 =	vld [tilespmem:s25+$0x108B0]  }
0x1bf: {  	v11 =	vld [tilespmem:s25+$0x88B0]  }
0x1c0: {  	v3 =	vadd.f32 v4, v3;
	v4 =	vmul.f32 v5, v5;
	v5 =	vsub.f32 v8, v10;
	v8 =	vld [tilespmem:s25+$0x108C0]  }
0x1c1: {  	v10 =	vld [tilespmem:s25+$0x88C0]  }
0x1c2: {  	v3 =	vadd.f32 v4, v3;
	v4 =	vmul.f32 v5, v5;
	v5 =	vsub.f32 v7, v9;
	v7 =	vld [tilespmem:s25+$0x108D0]  }
0x1c3: {  	v9 =	vld [tilespmem:s25+$0x88D0]  }
0x1c4: {  	v3 =	vadd.f32 v4, v3;
	v4 =	vmul.f32 v5, v5;
	v5 =	vsub.f32 v6, v11;
	v6 =	vld [tilespmem:s25+$0x108E0]  }
0x1c5: {  	v11 =	vld [tilespmem:s25+$0x88E0]  }
0x1c6: {  	v3 =	vadd.f32 v4, v3;
	v4 =	vmul.f32 v5, v5;
	v5 =	vsub.f32 v8, v10;
	v8 =	vld [tilespmem:s25+$0x108F0]  }
0x1c7: {  	v10 =	vld [tilespmem:s25+$0x88F0]  }
0x1c8: {  	v3 =	vadd.f32 v4, v3;
	v4 =	vmul.f32 v5, v5;
	v5 =	vsub.f32 v7, v9;
	v7 =	vld [tilespmem:s25+$0x10C80]  }
0x1c9: {  	v9 =	vld [tilespmem:s25+$0x8C80]  }
0x1ca: {  	v3 =	vadd.f32 v4, v3;
	v4 =	vmul.f32 v5, v5;
	v5 =	vsub.f32 v6, v11;
	v6 =	vld [tilespmem:s25+$0x10C90]  }
0x1cb: {  	v11 =	vld [tilespmem:s25+$0x8C90]  }
0x1cc: {  	v3 =	vadd.f32 v4, v3;
	v4 =	vmul.f32 v5, v5;
	v5 =	vsub.f32 v8, v10;
	v8 =	vld [tilespmem:s25+$0x10CA0]  }
0x1cd: {  	v10 =	vld [tilespmem:s25+$0x8CA0]  }
0x1ce: {  	v3 =	vadd.f32 v4, v3;
	v4 =	vmul.f32 v5, v5;
	v5 =	vsub.f32 v7, v9;
	v7 =	vld [tilespmem:s25+$0x10CB0]  }
0x1cf: {  	v9 =	vld [tilespmem:s25+$0x8CB0]  }
0x1d0: {  	v3 =	vadd.f32 v4, v3;
	v4 =	vmul.f32 v5, v5;
	v5 =	vsub.f32 v6, v11;
	v11 =	vld [tilespmem:s25+$0x10CC0]  }
0x1d1: {  	v12 =	vld [tilespmem:s25+$0x8CC0]  }
0x1d2: {  	v4 =	vadd.f32 v4, v3;
	v6 =	vmul.f32 v5, v5;
	v8 =	vsub.f32 v8, v10;
	v3 =	vld [tilespmem:s25+$0x10CD0]  }
.Ltmp1:
0x1d3: {  	v5 =	vld [tilespmem:s25+$0x8CD0];
	(pc) =	sbr.rel @p0 .LBB2_4-.Ltmp1, $4  }
0x1d4: {  	v10 =	vadd.f32 v6, v4;
	v8 =	vmul.f32 v8, v8;
	v7 =	vsub.f32 v7, v9;
	v4 =	vld [tilespmem:s25+$0x10CE0]  }
0x1d5: {  	s26 =	sadd.s32 $0x80, s26;
	v6 =	vld [tilespmem:s25+$0x8CE0]  }
0x1d6: {  	s29 =	sand.u32 $0x7000, s28;
	s30 =	sand.u32 $0x380, s26;
	v9 =	vadd.f32 v8, v10;
	v10 =	vmul.f32 v7, v7;
	v11 =	vsub.f32 v11, v12;
	v7 =	vld [tilespmem:s25+$0x10CF0]  }
0x1d7: {  	s28 =	sadd.s32 $0x200, s28;
	v8 =	vld [tilespmem:s25+$0x8CF0];
	s25 =	sor.u32 s30, s29  }
0x1d8: {  	v12 =	vld [tilespmem:s25+$0x10080];
	v9 =	vadd.f32 v10, v9;
	v44 =	vmul.f32 v11, v11;
	v3 =	vsub.f32 v3, v5  }
0x1d9: {  	v45 =	vld [tilespmem:s25+$0x8080]  }
0x1da: {  	v46 =	vld [tilespmem:s25+$0x10090];
	v9 =	vadd.f32 v44, v9;
	v3 =	vmul.f32 v3, v3;
	v4 =	vsub.f32 v4, v6  }
0x1db: {  	v47 =	vld [tilespmem:s25+$0x8090]  }
0x1dc: {  	v48 =	vld [tilespmem:s25+$0x100A0];
	v3 =	vadd.f32 v3, v9;
	v4 =	vmul.f32 v4, v4;
	v7 =	vsub.f32 v7, v8  }
0x1dd: {  	v49 =	vld [tilespmem:s25+$0x80A0]  }
0x1de: {  	v50 =	vld [tilespmem:s25+$0x100B0];
	v5 =	vsub.f32 v12, v45;
	v3 =	vadd.f32 v4, v3;
	v51 =	vmul.f32 v7, v7  }
0x1df: {  	v52 =	vld [tilespmem:s25+$0x80B0]  }
0x1e0: {  	v53 =	vld [tilespmem:s25+$0x100C0];
	v6 =	vsub.f32 v46, v47;
	v5 =	vmul.f32 v5, v5;
	v3 =	vadd.f32 v51, v3  }
0x1e1: {  	v54 =	vld [tilespmem:s25+$0x80C0]  }
0x1e2: {  	v57 =	vld [tilespmem:s25+$0x100D0];
	v56 =	vsub.f32 v48, v49;
	v55 =	vmul.f32 v6, v6;
	v3 =	vadd.f32 v5, v3  }
0x1e3: {  	v58 =	vld [tilespmem:s25+$0x80D0]  }
0x1e4: {  	v61 =	vld [tilespmem:s25+$0x100E0];
	v60 =	vsub.f32 v50, v52;
	v59 =	vmul.f32 v56, v56;
	v3 =	vadd.f32 v55, v3  }
0x1e5: {  	v62 =	vld [tilespmem:s25+$0x80E0]  }
0x1e6: {  	v13 =	vld [tilespmem:s25+$0x80F0];
	v4 =	vsub.f32 v53, v54;
	v63 =	vmul.f32 v60, v60;
	v3 =	vadd.f32 v59, v3  }
0x1e7: {  	v12 =	vld [tilespmem:s25+$0x100F0]  }
0x1e8: {  	v15 =	vld [tilespmem:s25+$0x10480];
	v14 =	vsub.f32 v57, v58;
	v4 =	vmul.f32 v4, v4;
	v3 =	vadd.f32 v63, v3  }
0x1e9: {  	v16 =	vld [tilespmem:s25+$0x8480]  }
0x1ea: {  	v19 =	vld [tilespmem:s25+$0x10490];
	v18 =	vsub.f32 v61, v62;
	v17 =	vmul.f32 v14, v14;
	v3 =	vadd.f32 v4, v3  }
0x1eb: {  	v20 =	vld [tilespmem:s25+$0x8490]  }
0x1ec: {  	v23 =	vld [tilespmem:s25+$0x104A0];
	v21 =	vmul.f32 v18, v18;
	v22 =	vsub.f32 v12, v13;
	v3 =	vadd.f32 v17, v3  }
0x1ed: {  	v24 =	vld [tilespmem:s25+$0x84A0]  }
0x1ee: {  	v27 =	vld [tilespmem:s25+$0x104B0];
	v26 =	vsub.f32 v15, v16;
	v25 =	vmul.f32 v22, v22;
	v3 =	vadd.f32 v21, v3  }
0x1ef: {  	v28 =	vld [tilespmem:s25+$0x84B0]  }
0x1f0: {  	v31 =	vld [tilespmem:s25+$0x104C0];
	v30 =	vsub.f32 v19, v20;
	v29 =	vmul.f32 v26, v26;
	v3 =	vadd.f32 v25, v3  }
0x1f1: {  	v32 =	vld [tilespmem:s25+$0x84C0]  }
0x1f2: {  	v35 =	vld [tilespmem:s25+$0x104D0];
	v34 =	vsub.f32 v23, v24;
	v33 =	vmul.f32 v30, v30;
	v3 =	vadd.f32 v29, v3  }
0x1f3: {  	v36 =	vld [tilespmem:s25+$0x84D0]  }
0x1f4: {  	v39 =	vld [tilespmem:s25+$0x104E0];
	v38 =	vsub.f32 v27, v28;
	v37 =	vmul.f32 v34, v34;
	v3 =	vadd.f32 v33, v3  }
0x1f5: {  	v40 =	vld [tilespmem:s25+$0x84E0]  }
0x1f6: {  	v43 =	vld [tilespmem:s25+$0x104F0];
	v42 =	vsub.f32 v31, v32;
	v41 =	vmul.f32 v38, v38;
	v3 =	vadd.f32 v37, v3  }
0x1f7: {  	v44 =	vld [tilespmem:s25+$0x84F0]  }
0x1f8: {  	v46 =	vsub.f32 v35, v36;
	v47 =	vld [tilespmem:s25+$0x10880];
	v45 =	vmul.f32 v42, v42;
	v3 =	vadd.f32 v41, v3  }
0x1f9: {  	v48 =	vld [tilespmem:s25+$0x8880]  }
0x1fa: {  	v50 =	vsub.f32 v39, v40;
	v52 =	vld [tilespmem:s25+$0x8890];
	v49 =	vmul.f32 v46, v46;
	v3 =	vadd.f32 v45, v3  }
0x1fb: {  	v51 =	vld [tilespmem:s25+$0x10890]  }
0x1fc: {  	v53 =	vmul.f32 v50, v50;
	v54 =	vsub.f32 v43, v44;
	v56 =	vld [tilespmem:s25+$0x88A0];
	v3 =	vadd.f32 v49, v3  }
0x1fd: {  	v55 =	vld [tilespmem:s25+$0x108A0]  }
0x1fe: {  	v60 =	vld [tilespmem:s25+$0x88B0];
	v57 =	vmul.f32 v54, v54;
	v58 =	vsub.f32 v47, v48;
	v3 =	vadd.f32 v53, v3  }
0x1ff: {  	v59 =	vld [tilespmem:s25+$0x108B0]  }
0x200: {  	v12 =	vld [tilespmem:s25+$0x88C0];
	v61 =	vmul.f32 v58, v58;
	v62 =	vsub.f32 v51, v52;
	v3 =	vadd.f32 v57, v3  }
0x201: {  	v63 =	vld [tilespmem:s25+$0x108C0]  }
0x202: {  	v15 =	vld [tilespmem:s25+$0x108D0];
	v13 =	vmul.f32 v62, v62;
	v14 =	vsub.f32 v55, v56;
	v3 =	vadd.f32 v61, v3  }
0x203: {  	v16 =	vld [tilespmem:s25+$0x88D0]  }
0x204: {  	v19 =	vld [tilespmem:s25+$0x108E0];
	v18 =	vsub.f32 v59, v60;
	v17 =	vmul.f32 v14, v14;
	v3 =	vadd.f32 v13, v3  }
0x205: {  	v20 =	vld [tilespmem:s25+$0x88E0]  }
0x206: {  	v23 =	vld [tilespmem:s25+$0x108F0];
	v22 =	vsub.f32 v63, v12;
	v21 =	vmul.f32 v18, v18;
	v3 =	vadd.f32 v17, v3  }
0x207: {  	v24 =	vld [tilespmem:s25+$0x88F0]  }
0x208: {  	v27 =	vld [tilespmem:s25+$0x10C80];
	v26 =	vsub.f32 v15, v16;
	v25 =	vmul.f32 v22, v22;
	v3 =	vadd.f32 v21, v3  }
0x209: {  	v28 =	vld [tilespmem:s25+$0x8C80]  }
0x20a: {  	v31 =	vld [tilespmem:s25+$0x10C90];
	v30 =	vsub.f32 v19, v20;
	v29 =	vmul.f32 v26, v26;
	v3 =	vadd.f32 v25, v3  }
0x20b: {  	v32 =	vld [tilespmem:s25+$0x8C90]  }
0x20c: {  	v35 =	vld [tilespmem:s25+$0x10CA0];
	v34 =	vsub.f32 v23, v24;
	v33 =	vmul.f32 v30, v30;
	v3 =	vadd.f32 v29, v3  }
0x20d: {  	v36 =	vld [tilespmem:s25+$0x8CA0]  }
0x20e: {  	v39 =	vld [tilespmem:s25+$0x10CB0];
	v38 =	vsub.f32 v27, v28;
	v37 =	vmul.f32 v34, v34;
	v3 =	vadd.f32 v33, v3  }
0x20f: {  	v40 =	vld [tilespmem:s25+$0x8CB0]  }
0x210: {  	v43 =	vld [tilespmem:s25+$0x10CC0];
	v42 =	vsub.f32 v31, v32;
	v41 =	vmul.f32 v38, v38;
	v3 =	vadd.f32 v37, v3  }
0x211: {  	v44 =	vld [tilespmem:s25+$0x8CC0]  }
0x212: {  	v46 =	vsub.f32 v35, v36;
	v47 =	vld [tilespmem:s25+$0x10CD0];
	v45 =	vmul.f32 v42, v42;
	v3 =	vadd.f32 v41, v3  }
0x213: {  	v48 =	vld [tilespmem:s25+$0x8CD0]  }
0x214: {  	v50 =	vsub.f32 v39, v40;
	v51 =	vld [tilespmem:s25+$0x10CE0];
	v49 =	vmul.f32 v46, v46;
	v3 =	vadd.f32 v45, v3  }
0x215: {  	v52 =	vld [tilespmem:s25+$0x8CE0]  }
0x216: {  	v54 =	vsub.f32 v43, v44;
	v55 =	vld [tilespmem:s25+$0x10CF0];
	v53 =	vmul.f32 v50, v50;
	v3 =	vadd.f32 v49, v3  }
0x217: {  	v56 =	vld [tilespmem:s25+$0x8CF0]  }
0x218: {  	v58 =	vsub.f32 v47, v48;
	v57 =	vmul.f32 v54, v54;
	v3 =	vadd.f32 v53, v3;
	_ =	sdelay $0x1  }
0x219: {  	v59 =	vmul.f32 v58, v58;
	v60 =	vsub.f32 v51, v52;
	v3 =	vadd.f32 v57, v3;
	_ =	sdelay $0x1  }
0x21a: {  	v62 =	vsub.f32 v55, v56;
	v61 =	vmul.f32 v60, v60;
	v3 =	vadd.f32 v59, v3;
	_ =	sdelay $0x1  }
0x21b: {  	v63 =	vmul.f32 v62, v62;
	v3 =	vadd.f32 v61, v3;
	_ =	sdelay $0x1  }
0x21c: {  	s24 =	sadd.s32 $0x1, s24;
	v3 =	vadd.f32 v63, v3  }
0x21d: {  	p0 =	sne.s32 s24, s9  }
.Ltmp2:
0x21e: {  	[tilespmem:$0x18080] =	vst v3;
	(pc) =	sbr.rel @p0 .LBB2_1-.Ltmp2, $4  }
0x21f: {  	[hbm4b:s8+s3] =	stream.linear.scatter [tilespmem:s23], [sflag:$0x2], $0x80, $0x38;
	[tilespmem:$0x18100] =	vst v63  }
0x220: {  	_ =	swait.ge [sflag:s10], $0x80  }
0x221: {  	[sflag:s10] =	ssyncset.done $0x0  }
0x222: {  	[sflag:s10] =	ssyncadd.s32 $0xFFFFFF80  }
0x223: {  	_ =	sfence.sel $0x180000  }
0x224: {  	[bflag:$0x0] =	sbarrier.arrive $0xFFFF  }
0x225: {  	_ =	strace $0x90000047  }
0x226: {  	s0 =	stileid.u32;
	[bflag:$0x2] =	sbarrier.arrive $0xFFFF  }
0x227: {  	p0 =	sne.s32 s0, $0x0;
	s0 =	rddreg [dreg:$0x4]  }
0x228: {  	s0 =	sadd.s32 @!p0 $0x100000, s0  }
0x229: {  	[sflag:s0] =	ssyncadd.tile.s32 @!p0 $0x1;
	_ =	shalt  }
.Lfunc_end2:
_tile_overlayer_lowered:
.L_overlay_start_2:
0x22a: {  	(tag) =	ssettag $0x2  }
0x22b: {  	s0 =	rddreg [dreg:$0x0];
	s2 =	stileid.u32  }
0x22c: {  	s1 =	rddreg [dreg:$0x1];
	p0 =	sne.s32 s2, $0x0  }
0x22d: {  	s3 =	rddreg [dreg:$0x2];
	[bflag:$0x3] =	sbarrier.arrive $0xFFFF;
	s2 =	simm.s32 @!p0 $0x1C02  }
0x22e: {  	[timem:s3], [sflag:s2] =	dma.local @!p0 [hbm:s0], s1  }
0x22f: {  	s0 =	simm.s32 @!p0 $0x2  }
0x230: {  	_ =	swait.ge @!p0 [sflag:s0], s1  }
0x231: {  	s1 =	ssub.s32 @!p0 $0x0, s1;
	[sflag:s0] =	ssyncset.done @!p0 $0x0  }
0x232: {  	[sflag:s0] =	ssyncadd.s32 @!p0 s1  }
0x233: {  	[bflag:$0x3] =	sbarrier.arrive $0xFFFF  }
0x234: {  	_ =	shalt  }

</sc_bundles>
